<compile_context>
chip_gen: v7x
topology: tpu7x:2x2x1
jax: 0.10.2.dev20260603
libtpu: 0.0.44.dev20260713+nightly
codegen_flags: <defaults>
</compile_context>

<pallas_src>
import functools

import jax
import jax.numpy as jnp
from jax import lax
from jax.experimental import pallas as pl
from jax.experimental.pallas import tpu as pltpu
from jax.experimental.pallas import tpu_sc as plsc

_NC = 2
_NS = 16
_CK = 128


def _sc_mesh():
    return plsc.VectorSubcoreMesh(core_axis_name="c", subcore_axis_name="s")


def _make_deg(n_chunks, acc_rows):
    rpt = acc_rows // _NS
    cpt = n_chunks // (_NC * _NS)

    @functools.partial(
        pl.kernel,
        out_type=jax.ShapeDtypeStruct((_NC, acc_rows, 16), jnp.float32),
        mesh=_sc_mesh(),
        scratch_types=[
            pltpu.VMEM((cpt, _CK), jnp.int32),
            pltpu.VMEM((_CK, 16), jnp.float32),
            pltpu.VMEM_SHARED((acc_rows, 16), jnp.float32),
        ],
    )
    def deg_kernel(dst_hbm, zeros_hbm, out_hbm, idx, ones_v, acc):
        c = lax.axis_index("c")
        s = lax.axis_index("s")
        pltpu.sync_copy(zeros_hbm.at[pl.ds(s * rpt, rpt), :],
                        acc.at[pl.ds(s * rpt, rpt), :])

        @pl.loop(0, _CK)
        def _(j):
            ones_v.at[j][...] = jnp.full((16,), 1.0, jnp.float32)

        base = (c * _NS + s) * cpt
        pltpu.sync_copy(dst_hbm.at[pl.ds(base, cpt), :], idx)
        plsc.subcore_barrier()

        @pl.loop(0, cpt)
        def _(j):
            pltpu.sync_copy(ones_v, acc.at[idx.at[j]], add=True)

        plsc.subcore_barrier()
        pltpu.sync_copy(acc.at[pl.ds(s * rpt, rpt), :],
                        out_hbm.at[c, pl.ds(s * rpt, rpt), :])

    return deg_kernel


def _make_prop(n_chunks, acc_rows, feat, edge_split):
    rpt = acc_rows // _NS
    if edge_split:
        cpt = n_chunks // (_NC * _NS)
        phases = 1
    else:
        cpt = n_chunks // _NS
        phases = 2
    cpt_ph = cpt // phases

    @functools.partial(
        pl.kernel,
        out_type=jax.ShapeDtypeStruct((_NC, acc_rows, feat), jnp.float32),
        mesh=_sc_mesh(),
        scratch_types=[
            pltpu.VMEM((cpt_ph, _CK), jnp.int32),
            pltpu.VMEM((cpt_ph, _CK), jnp.int32),
            pltpu.VMEM((_CK, feat), jnp.float32),
            pltpu.VMEM_SHARED((acc_rows, feat), jnp.float32),
        ],
    )
    def prop_kernel(table_hbm, src_hbm, dst_hbm, zeros_hbm, out_hbm,
                    isrc, idst, rows0, acc):
        c = lax.axis_index("c")
        s = lax.axis_index("s")
        pltpu.sync_copy(zeros_hbm.at[pl.ds(s * rpt, rpt), :],
                        acc.at[pl.ds(s * rpt, rpt), :])
        plsc.subcore_barrier()

        for ph in range(phases):
            if edge_split:
                base = (c * _NS + s) * cpt + ph * cpt_ph
                pltpu.sync_copy(src_hbm.at[pl.ds(base, cpt_ph), :], isrc)
            else:
                base = s * cpt + ph * cpt_ph
                pltpu.sync_copy(src_hbm.at[c, pl.ds(base, cpt_ph), :], isrc)
            pltpu.sync_copy(dst_hbm.at[pl.ds(base, cpt_ph), :], idst)

            @pl.loop(0, cpt_ph)
            def _(j):
                pltpu.sync_copy(table_hbm.at[isrc.at[j]], rows0)
                pltpu.sync_copy(rows0, acc.at[idst.at[j]], add=True)

        plsc.subcore_barrier()
        pltpu.sync_copy(acc.at[pl.ds(s * rpt, rpt), :],
                        out_hbm.at[c, pl.ds(s * rpt, rpt), :])

    return prop_kernel


def _mm_kernel(x_ref, w_ref, o_ref):
    o_ref[...] = jnp.dot(x_ref[...], w_ref[...],
                         preferred_element_type=jnp.float32)


def _matmul(x, w, block_rows=1000):
    n, k = x.shape
    _, m = w.shape
    return pl.pallas_call(
        _mm_kernel,
        grid=(n // block_rows,),
        in_specs=[
            pl.BlockSpec((block_rows, k), lambda i: (i, 0)),
            pl.BlockSpec((k, m), lambda i: (0, 0)),
        ],
        out_specs=pl.BlockSpec((block_rows, m), lambda i: (i, 0)),
        out_shape=jax.ShapeDtypeStruct((n, m), jnp.float32),
    )(x, w)


def _dcol(deg_ref):
    g = deg_ref[...]
    deg = g[0, :, 0] + g[1, :, 0] + 1.0
    return lax.rsqrt(deg)[:, None]


def _scale1_kernel(h_ref, deg_ref, o_ref):
    o_ref[0] = h_ref[...] * _dcol(deg_ref)


def _scale1(h1, deg2, block_rows=1000):
    n, m = h1.shape
    return pl.pallas_call(
        _scale1_kernel,
        grid=(n // block_rows, m // 128),
        in_specs=[
            pl.BlockSpec((block_rows, 128), lambda i, j: (i, j)),
            pl.BlockSpec((2, block_rows, 16), lambda i, j: (0, i, 0)),
        ],
        out_specs=pl.BlockSpec((1, block_rows, 128), lambda i, j: (j, i, 0)),
        out_shape=jax.ShapeDtypeStruct((m // 128, n, 128), jnp.float32),
    )(h1, deg2)


def _mid_kernel(z_ref, y_ref, deg_ref, b1_ref, w2_ref, o_ref):
    d = _dcol(deg_ref)
    zz = z_ref[...]
    yy = y_ref[...]
    t = jnp.concatenate([zz[0] + yy[0], zz[1] + yy[1]], axis=1)
    out1 = jax.nn.relu(t * d + b1_ref[...])
    o_ref[...] = jnp.dot(out1, w2_ref[...],
                         preferred_element_type=jnp.float32) * d


def _mid(z1, y1s, deg2, b1, W2, block_rows=1000):
    n = y1s.shape[1]
    m = W2.shape[1]
    return pl.pallas_call(
        _mid_kernel,
        grid=(n // block_rows,),
        in_specs=[
            pl.BlockSpec((2, block_rows, 128), lambda i: (0, i, 0)),
            pl.BlockSpec((2, block_rows, 128), lambda i: (0, i, 0)),
            pl.BlockSpec((2, block_rows, 16), lambda i: (0, i, 0)),
            pl.BlockSpec((1, 256), lambda i: (0, 0)),
            pl.BlockSpec((256, m), lambda i: (0, 0)),
        ],
        out_specs=pl.BlockSpec((block_rows, m), lambda i: (i, 0)),
        out_shape=jax.ShapeDtypeStruct((n, m), jnp.float32),
    )(z1, y1s, deg2, b1, W2)


def _final_kernel(z_ref, y_ref, deg_ref, b2_ref, o_ref):
    d = _dcol(deg_ref)
    zz = z_ref[...]
    m = y_ref.shape[1]
    t = (zz[0] + zz[1])[:, :m] + y_ref[...]
    v = t * d + b2_ref[...]
    m = jnp.max(v, axis=1, keepdims=True)
    sh = v - m
    lse = jnp.log(jnp.sum(jnp.exp(sh), axis=1, keepdims=True))
    o_ref[...] = sh - lse


def _final(z2, y2, deg2, b2, block_rows=1000):
    n, m = y2.shape
    return pl.pallas_call(
        _final_kernel,
        grid=(n // block_rows,),
        in_specs=[
            pl.BlockSpec((2, block_rows, 128), lambda i: (0, i, 0)),
            pl.BlockSpec((block_rows, m), lambda i: (i, 0)),
            pl.BlockSpec((2, block_rows, 16), lambda i: (0, i, 0)),
            pl.BlockSpec((1, m), lambda i: (0, 0)),
        ],
        out_specs=pl.BlockSpec((block_rows, m), lambda i: (i, 0)),
        out_shape=jax.ShapeDtypeStruct((n, m), jnp.float32),
    )(z2, y2, deg2, b2)


def kernel(x, edge_index, W1, b1, W2, b2):
    n = x.shape[0]
    e = edge_index.shape[1]
    src = edge_index[0]
    dst = edge_index[1]

    ept = _CK * 256
    e_pad = -(-e // ept) * ept
    n_chunks = e_pad // _CK
    acc_rows = -(-(n + 1) // (8 * _NS)) * (8 * _NS)
    trash = n

    pad = e_pad - e
    pad_src = jnp.arange(pad, dtype=jnp.int32) % n
    src2 = jnp.stack([src, src + n])
    src2 = jnp.concatenate(
        [src2, jnp.stack([pad_src, pad_src + n])], axis=1)
    srcp = src2[0].reshape(n_chunks, _CK)
    src2 = src2.reshape(2, n_chunks, _CK)
    spare = acc_rows - trash
    pad_dst = trash + jnp.arange(pad, dtype=jnp.int32) % spare
    dstp = jnp.concatenate([dst, pad_dst])
    dstp = dstp.reshape(n_chunks, _CK)

    zeros16 = jnp.zeros((acc_rows, 16), jnp.float32)
    zeros128 = jnp.zeros((acc_rows, 128), jnp.float32)

    deg2 = _make_deg(n_chunks, acc_rows)(dstp, zeros16)

    h1 = _matmul(x, W1)
    y1s = _scale1(h1, deg2)

    z1 = _make_prop(n_chunks, acc_rows, 128, False)(
        y1s.reshape(2 * n, 128), src2, dstp, zeros128)

    y2 = _mid(z1, y1s, deg2, b1[None, :], W2)

    t2 = jnp.pad(y2, ((0, 0), (0, 64)))
    z2 = _make_prop(n_chunks, acc_rows, 128, True)(
        t2, srcp, dstp, zeros128)

    return _final(z2, y2, deg2, b2[None, :])

# --- scband reference (transcript-rebuilt; emitter-appended) ---
"""Pipeline reference for scband-gcn-3367254360555 (READ-ONLY COPY).

The authoritative reference and input builder live on the scoring server;
editing this copy changes nothing except your own understanding.
"""

import jax, jax.numpy as jnp
import numpy as np

N = 10000
E = 160000
NFEAT = 256
NHID = 256
NCLASS = 64


def setup_inputs(seed: int = 0) -> dict:
    key = jax.random.key(seed)
    k1, k2, k3, k4, k5, k6 = jax.random.split(key, 6)
    x = jax.random.normal(k1, (N, NFEAT), dtype=jnp.float32)
    edge_index = jax.random.randint(k2, (2, E), 0, N, dtype=jnp.int32)
    # GCNConv layer 1 params (glorot-style init)
    W1 = jax.random.normal(k3, (NFEAT, NHID), dtype=jnp.float32) * (1.0 / np.sqrt(NFEAT))
    b1 = jnp.zeros((NHID,), dtype=jnp.float32)
    # GCNConv layer 2 params
    W2 = jax.random.normal(k4, (NHID, NCLASS), dtype=jnp.float32) * (1.0 / np.sqrt(NHID))
    b2 = jnp.zeros((NCLASS,), dtype=jnp.float32)
    return {"x": x, "edge_index": edge_index, "W1": W1, "b1": b1, "W2": W2, "b2": b2}


def gcn_conv(x, edge_index, W, b):
    n = x.shape[0]
    src = edge_index[0]
    dst = edge_index[1]
    # add self-loops (PyG GCNConv default)
    loop = jnp.arange(n, dtype=edge_index.dtype)
    src = jnp.concatenate([src, loop])
    dst = jnp.concatenate([dst, loop])
    # linear transform
    h = x @ W
    # symmetric normalization: deg computed on dst with self-loops
    ones = jnp.ones(src.shape[0], dtype=h.dtype)
    deg = jnp.zeros((n,), dtype=h.dtype).at[dst].add(ones)
    deg_inv_sqrt = jnp.where(deg > 0, deg ** -0.5, 0.0)
    norm = deg_inv_sqrt[src] * deg_inv_sqrt[dst]
    # gather messages from src, scale, scatter-add to dst
    msg = h[src] * norm[:, None]
    out = jnp.zeros((n, h.shape[1]), dtype=h.dtype).at[dst].add(msg)
    return out + b


def reference(x, edge_index, W1, b1, W2, b2):
    h = jax.nn.relu(gcn_conv(x, edge_index, W1, b1))
    # dropout is identity in eval mode (training=False)
    h = gcn_conv(h, edge_index, W2, b2)
    return jax.nn.log_softmax(h, axis=1)

if __name__ == "__main__":
    import jax
    _d = setup_inputs()
    print(jax.jit(kernel)(*tuple(_d.values())))

</pallas_src>

<mosaic_0001>
#map = affine_map<(d0, d1) -> (0, 0)>
#map1 = affine_map<(d0, d1) -> (0, 0, 0)>
module attributes {stable_mosaic.version = 14 : i64} {
  func.func @prop_kernel(%arg0: i32, %arg1: i32, %arg2: memref<10000x128xf32, #tpu.memory_space<hbm>>, %arg3: memref<1280x128xi32, #tpu.memory_space<hbm>>, %arg4: memref<1280x128xi32, #tpu.memory_space<hbm>>, %arg5: memref<10112x128xf32, #tpu.memory_space<hbm>>, %arg6: memref<2x10112x128xf32, #tpu.memory_space<hbm>>, %arg7: memref<40x128xi32, #tpu.memory_space<vmem>>, %arg8: memref<40x128xi32, #tpu.memory_space<vmem>>, %arg9: memref<128x128xf32, #tpu.memory_space<vmem>>, %arg10: memref<10112x128xf32, #tpu.memory_space<vmem_shared>>) attributes {dimension_semantics = [#tpu.dimension_semantics<core_parallel>, #tpu.dimension_semantics<subcore_parallel>], iteration_bounds = array<i64: 2, 16>, scalar_prefetch = 0 : i64, scratch_operands = 4 : i64, tpu.core_type = #tpu.core_type<sc_vector_subcore>, window_params = [{transform_indices = #map}, {transform_indices = #map}, {transform_indices = #map}, {transform_indices = #map}, {transform_indices = #map1}]} {
    %mul3A = arith.constant 632 : i32
    %mul3A_0 = arith.muli %arg1, %mul3A : i32
    %mul3A_1 = arith.constant 632 : i32
    %mul3A_2 = arith.muli %arg1, %mul3A_1 : i32
    "tpu.region"() ({
      %run_scoped3A = tpu.sem_alloc : memref<!tpu.dma_semaphore, #tpu.memory_space<semaphore_mem>>
      %dma_start3A = arith.constant 0 : i32
      %dma_start3A_18 = tpu.memref_slice %arg10[%mul3A_2, %dma_start3A] : memref<10112x128xf32, #tpu.memory_space<vmem_shared>> -> memref<632x128xf32, #tpu.memory_space<vmem_shared>>
      %dma_start3A_19 = arith.constant 0 : i32
      %dma_start3A_20 = tpu.memref_slice %arg5[%mul3A_0, %dma_start3A_19] : memref<10112x128xf32, #tpu.memory_space<hbm>> -> memref<632x128xf32, #tpu.memory_space<hbm>>
      tpu.enqueue_dma source(%dma_start3A_20 : memref<632x128xf32, #tpu.memory_space<hbm>>) target(%dma_start3A_18 : memref<632x128xf32, #tpu.memory_space<vmem_shared>>) target_semaphore(%run_scoped3A : memref<!tpu.dma_semaphore, #tpu.memory_space<semaphore_mem>>)
      %dma_wait3A = arith.constant 0 : i32
      %dma_wait3A_21 = tpu.memref_slice %arg10[%mul3A_2, %dma_wait3A] : memref<10112x128xf32, #tpu.memory_space<vmem_shared>> -> memref<632x128xf32, #tpu.memory_space<vmem_shared>>
      %dma_wait3A_22 = arith.constant 0 : i32
      %dma_wait3A_23 = tpu.memref_slice %arg5[%mul3A_0, %dma_wait3A_22] : memref<10112x128xf32, #tpu.memory_space<hbm>> -> memref<632x128xf32, #tpu.memory_space<hbm>>
      tpu.wait_dma2 semaphore(%run_scoped3A : memref<!tpu.dma_semaphore, #tpu.memory_space<semaphore_mem>>) src(%dma_wait3A_23 : memref<632x128xf32, #tpu.memory_space<hbm>>) dst(%dma_wait3A_21 : memref<632x128xf32, #tpu.memory_space<vmem_shared>>)
      tpu.yield
    }) : () -> ()
    %barrier3A = arith.constant 0 : index
    tpu.barrier barrier_id(%barrier3A)
    %mul3A_3 = arith.constant 16 : i32
    %mul3A_4 = arith.muli %arg0, %mul3A_3 : i32
    %add3A = arith.addi %mul3A_4, %arg1 : i32
    %mul3A_5 = arith.constant 40 : i32
    %mul3A_6 = arith.muli %add3A, %mul3A_5 : i32
    %add3A_7 = arith.constant 0 : i32
    %add3A_8 = arith.addi %mul3A_6, %add3A_7 : i32
    "tpu.region"() ({
      %run_scoped3A = tpu.sem_alloc : memref<!tpu.dma_semaphore, #tpu.memory_space<semaphore_mem>>
      %dma_start3A = arith.constant 0 : i32
      %dma_start3A_18 = tpu.memref_slice %arg3[%add3A_8, %dma_start3A] : memref<1280x128xi32, #tpu.memory_space<hbm>> -> memref<40x128xi32, #tpu.memory_space<hbm>>
      %dma_start3A_19 = arith.constant 0 : i32
      %dma_start3A_20 = tpu.memref_slice %arg3[%add3A_8, %dma_start3A_19] : memref<1280x128xi32, #tpu.memory_space<hbm>> -> memref<40x128xi32, #tpu.memory_space<hbm>>
      tpu.enqueue_dma source(%dma_start3A_20 : memref<40x128xi32, #tpu.memory_space<hbm>>) target(%arg7 : memref<40x128xi32, #tpu.memory_space<vmem>>) target_semaphore(%run_scoped3A : memref<!tpu.dma_semaphore, #tpu.memory_space<semaphore_mem>>)
      %dma_wait3A = arith.constant 0 : i32
      %dma_wait3A_21 = tpu.memref_slice %arg3[%add3A_8, %dma_wait3A] : memref<1280x128xi32, #tpu.memory_space<hbm>> -> memref<40x128xi32, #tpu.memory_space<hbm>>
      %dma_wait3A_22 = arith.constant 0 : i32
      %dma_wait3A_23 = tpu.memref_slice %arg3[%add3A_8, %dma_wait3A_22] : memref<1280x128xi32, #tpu.memory_space<hbm>> -> memref<40x128xi32, #tpu.memory_space<hbm>>
      tpu.wait_dma2 semaphore(%run_scoped3A : memref<!tpu.dma_semaphore, #tpu.memory_space<semaphore_mem>>) src(%dma_wait3A_23 : memref<40x128xi32, #tpu.memory_space<hbm>>) dst(%arg7 : memref<40x128xi32, #tpu.memory_space<vmem>>)
      tpu.yield
    }) : () -> ()
    "tpu.region"() ({
      %run_scoped3A = tpu.sem_alloc : memref<!tpu.dma_semaphore, #tpu.memory_space<semaphore_mem>>
      %dma_start3A = arith.constant 0 : i32
      %dma_start3A_18 = tpu.memref_slice %arg4[%add3A_8, %dma_start3A] : memref<1280x128xi32, #tpu.memory_space<hbm>> -> memref<40x128xi32, #tpu.memory_space<hbm>>
      %dma_start3A_19 = arith.constant 0 : i32
      %dma_start3A_20 = tpu.memref_slice %arg4[%add3A_8, %dma_start3A_19] : memref<1280x128xi32, #tpu.memory_space<hbm>> -> memref<40x128xi32, #tpu.memory_space<hbm>>
      tpu.enqueue_dma source(%dma_start3A_20 : memref<40x128xi32, #tpu.memory_space<hbm>>) target(%arg8 : memref<40x128xi32, #tpu.memory_space<vmem>>) target_semaphore(%run_scoped3A : memref<!tpu.dma_semaphore, #tpu.memory_space<semaphore_mem>>)
      %dma_wait3A = arith.constant 0 : i32
      %dma_wait3A_21 = tpu.memref_slice %arg4[%add3A_8, %dma_wait3A] : memref<1280x128xi32, #tpu.memory_space<hbm>> -> memref<40x128xi32, #tpu.memory_space<hbm>>
      %dma_wait3A_22 = arith.constant 0 : i32
      %dma_wait3A_23 = tpu.memref_slice %arg4[%add3A_8, %dma_wait3A_22] : memref<1280x128xi32, #tpu.memory_space<hbm>> -> memref<40x128xi32, #tpu.memory_space<hbm>>
      tpu.wait_dma2 semaphore(%run_scoped3A : memref<!tpu.dma_semaphore, #tpu.memory_space<semaphore_mem>>) src(%dma_wait3A_23 : memref<40x128xi32, #tpu.memory_space<hbm>>) dst(%arg8 : memref<40x128xi32, #tpu.memory_space<vmem>>)
      tpu.yield
    }) : () -> ()
    %scan3A = arith.constant 0 : i32
    %scan3A_9 = arith.constant 40 : i32
    %scan3A_10 = arith.addi %scan3A, %scan3A_9 : i32
    %scan3A_11 = arith.constant 1 : i32
    scf.for %scan3A_18 = %scan3A to %scan3A_10 step %scan3A_11  : i32 {
      %mul3A_19 = arith.constant 1 : i32
      %mul3A_20 = arith.muli %scan3A_18, %mul3A_19 : i32
      %add3A_21 = arith.constant 0 : i32
      %add3A_22 = arith.addi %add3A_21, %mul3A_20 : i32
      "tpu.region"() ({
        %run_scoped3A = tpu.sem_alloc : memref<!tpu.dma_semaphore, #tpu.memory_space<semaphore_mem>>
        %dma_start3A = arith.constant 0 : i32
        %dma_start3A_23 = tpu.memref_slice %arg7[%add3A_22, %dma_start3A] : memref<40x128xi32, #tpu.memory_space<vmem>> -> memref<1x128xi32, #tpu.memory_space<vmem>>
        %dma_start3A_24 = tpu.memref_squeeze %dma_start3A_23 : memref<1x128xi32, #tpu.memory_space<vmem>> -> memref<128xi32, #tpu.memory_space<vmem>>
        %dma_start3A_25 = arith.constant 0 : i32
        %dma_start3A_26 = arith.constant 0 : i32
        %dma_start3A_27 = tpu.memref_slice %arg2[%dma_start3A_25, %dma_start3A_26] : memref<10000x128xf32, #tpu.memory_space<hbm>> -> memref<10000x128xf32, #tpu.memory_space<hbm>>
        tpu.enqueue_indirect_dma source(%dma_start3A_27 : memref<10000x128xf32, #tpu.memory_space<hbm>>) target(%arg9 : memref<128x128xf32, #tpu.memory_space<vmem>>) offsets(%dma_start3A_24 : memref<128xi32, #tpu.memory_space<vmem>>) semaphore(%run_scoped3A : memref<!tpu.dma_semaphore, #tpu.memory_space<semaphore_mem>>)
        %dma_wait3A = arith.constant 0 : i32
        %dma_wait3A_28 = tpu.memref_slice %arg7[%add3A_22, %dma_wait3A] : memref<40x128xi32, #tpu.memory_space<vmem>> -> memref<1x128xi32, #tpu.memory_space<vmem>>
        %dma_wait3A_29 = tpu.memref_squeeze %dma_wait3A_28 : memref<1x128xi32, #tpu.memory_space<vmem>> -> memref<128xi32, #tpu.memory_space<vmem>>
        %dma_wait3A_30 = arith.constant 0 : i32
        %dma_wait3A_31 = arith.constant 0 : i32
        %dma_wait3A_32 = tpu.memref_slice %arg2[%dma_wait3A_30, %dma_wait3A_31] : memref<10000x128xf32, #tpu.memory_space<hbm>> -> memref<10000x128xf32, #tpu.memory_space<hbm>>
        tpu.wait_indirect_dma semaphore(%run_scoped3A : memref<!tpu.dma_semaphore, #tpu.memory_space<semaphore_mem>>) src(%dma_wait3A_32 : memref<10000x128xf32, #tpu.memory_space<hbm>>) dst(%arg9 : memref<128x128xf32, #tpu.memory_space<vmem>>)
        tpu.yield
      }) : () -> ()
      "tpu.region"() ({
        %run_scoped3A = tpu.sem_alloc : memref<!tpu.dma_semaphore, #tpu.memory_space<semaphore_mem>>
        %dma_start3A = arith.constant 0 : i32
        %dma_start3A_23 = tpu.memref_slice %arg8[%add3A_22, %dma_start3A] : memref<40x128xi32, #tpu.memory_space<vmem>> -> memref<1x128xi32, #tpu.memory_space<vmem>>
        %dma_start3A_24 = tpu.memref_squeeze %dma_start3A_23 : memref<1x128xi32, #tpu.memory_space<vmem>> -> memref<128xi32, #tpu.memory_space<vmem>>
        %dma_start3A_25 = arith.constant 0 : i32
        %dma_start3A_26 = arith.constant 0 : i32
        %dma_start3A_27 = tpu.memref_slice %arg10[%dma_start3A_25, %dma_start3A_26] : memref<10112x128xf32, #tpu.memory_space<vmem_shared>> -> memref<10112x128xf32, #tpu.memory_space<vmem_shared>>
        tpu.enqueue_indirect_dma source(%arg9 : memref<128x128xf32, #tpu.memory_space<vmem>>) target(%dma_start3A_27 : memref<10112x128xf32, #tpu.memory_space<vmem_shared>>) offsets(%dma_start3A_24 : memref<128xi32, #tpu.memory_space<vmem>>) semaphore(%run_scoped3A : memref<!tpu.dma_semaphore, #tpu.memory_space<semaphore_mem>>) {add = true}
        %dma_wait3A = arith.constant 0 : i32
        %dma_wait3A_28 = tpu.memref_slice %arg8[%add3A_22, %dma_wait3A] : memref<40x128xi32, #tpu.memory_space<vmem>> -> memref<1x128xi32, #tpu.memory_space<vmem>>
        %dma_wait3A_29 = tpu.memref_squeeze %dma_wait3A_28 : memref<1x128xi32, #tpu.memory_space<vmem>> -> memref<128xi32, #tpu.memory_space<vmem>>
        %dma_wait3A_30 = arith.constant 0 : i32
        %dma_wait3A_31 = arith.constant 0 : i32
        %dma_wait3A_32 = tpu.memref_slice %arg10[%dma_wait3A_30, %dma_wait3A_31] : memref<10112x128xf32, #tpu.memory_space<vmem_shared>> -> memref<10112x128xf32, #tpu.memory_space<vmem_shared>>
        tpu.wait_indirect_dma semaphore(%run_scoped3A : memref<!tpu.dma_semaphore, #tpu.memory_space<semaphore_mem>>) src(%arg9 : memref<128x128xf32, #tpu.memory_space<vmem>>) dst(%dma_wait3A_32 : memref<10112x128xf32, #tpu.memory_space<vmem_shared>>)
        tpu.yield
      }) : () -> ()
    }
    %scan3A_12 = arith.constant 40 : i32
    %barrier3A_13 = arith.constant 0 : index
    tpu.barrier barrier_id(%barrier3A_13)
    %mul3A_14 = arith.constant 632 : i32
    %mul3A_15 = arith.muli %arg1, %mul3A_14 : i32
    %mul3A_16 = arith.constant 632 : i32
    %mul3A_17 = arith.muli %arg1, %mul3A_16 : i32
    "tpu.region"() ({
      %run_scoped3A = tpu.sem_alloc : memref<!tpu.dma_semaphore, #tpu.memory_space<semaphore_mem>>
      %dma_start3A = arith.constant 0 : i32
      %dma_start3A_18 = tpu.memref_slice %arg6[%arg0, %mul3A_17, %dma_start3A] : memref<2x10112x128xf32, #tpu.memory_space<hbm>> -> memref<1x632x128xf32, #tpu.memory_space<hbm>>
      %dma_start3A_19 = tpu.memref_squeeze %dma_start3A_18 : memref<1x632x128xf32, #tpu.memory_space<hbm>> -> memref<632x128xf32, #tpu.memory_space<hbm>>
      %dma_start3A_20 = arith.constant 0 : i32
      %dma_start3A_21 = tpu.memref_slice %arg10[%mul3A_15, %dma_start3A_20] : memref<10112x128xf32, #tpu.memory_space<vmem_shared>> -> memref<632x128xf32, #tpu.memory_space<vmem_shared>>
      tpu.enqueue_dma source(%dma_start3A_21 : memref<632x128xf32, #tpu.memory_space<vmem_shared>>) target(%dma_start3A_19 : memref<632x128xf32, #tpu.memory_space<hbm>>) target_semaphore(%run_scoped3A : memref<!tpu.dma_semaphore, #tpu.memory_space<semaphore_mem>>)
      %dma_wait3A = arith.constant 0 : i32
      %dma_wait3A_22 = tpu.memref_slice %arg6[%arg0, %mul3A_17, %dma_wait3A] : memref<2x10112x128xf32, #tpu.memory_space<hbm>> -> memref<1x632x128xf32, #tpu.memory_space<hbm>>
      %dma_wait3A_23 = tpu.memref_squeeze %dma_wait3A_22 : memref<1x632x128xf32, #tpu.memory_space<hbm>> -> memref<632x128xf32, #tpu.memory_space<hbm>>
      %dma_wait3A_24 = arith.constant 0 : i32
      %dma_wait3A_25 = tpu.memref_slice %arg10[%mul3A_15, %dma_wait3A_24] : memref<10112x128xf32, #tpu.memory_space<vmem_shared>> -> memref<632x128xf32, #tpu.memory_space<vmem_shared>>
      tpu.wait_dma2 semaphore(%run_scoped3A : memref<!tpu.dma_semaphore, #tpu.memory_space<semaphore_mem>>) src(%dma_wait3A_25 : memref<632x128xf32, #tpu.memory_space<vmem_shared>>) dst(%dma_wait3A_23 : memref<632x128xf32, #tpu.memory_space<hbm>>)
      tpu.yield
    }) : () -> ()
    return
  }
}

#map = affine_map<(d0, d1) -> (0, 0)>
#map1 = affine_map<(d0, d1) -> (0, 0, 0)>
module attributes {stable_mosaic.version = 14 : i64} {
  func.func @deg_kernel(%arg0: i32, %arg1: i32, %arg2: memref<1280x128xi32, #tpu.memory_space<hbm>>, %arg3: memref<10112x16xf32, #tpu.memory_space<hbm>>, %arg4: memref<2x10112x16xf32, #tpu.memory_space<hbm>>, %arg5: memref<40x128xi32, #tpu.memory_space<vmem>>, %arg6: memref<128x16xf32, #tpu.memory_space<vmem>>, %arg7: memref<10112x16xf32, #tpu.memory_space<vmem_shared>>) attributes {dimension_semantics = [#tpu.dimension_semantics<core_parallel>, #tpu.dimension_semantics<subcore_parallel>], iteration_bounds = array<i64: 2, 16>, scalar_prefetch = 0 : i64, scratch_operands = 3 : i64, tpu.core_type = #tpu.core_type<sc_vector_subcore>, window_params = [{transform_indices = #map}, {transform_indices = #map}, {transform_indices = #map1}]} {
    %mul3A = arith.constant 632 : i32
    %mul3A_0 = arith.muli %arg1, %mul3A : i32
    %mul3A_1 = arith.constant 632 : i32
    %mul3A_2 = arith.muli %arg1, %mul3A_1 : i32
    "tpu.region"() ({
      %run_scoped3A = tpu.sem_alloc : memref<!tpu.dma_semaphore, #tpu.memory_space<semaphore_mem>>
      %dma_start3A = arith.constant 0 : i32
      %dma_start3A_21 = tpu.memref_slice %arg7[%mul3A_2, %dma_start3A] : memref<10112x16xf32, #tpu.memory_space<vmem_shared>> -> memref<632x16xf32, #tpu.memory_space<vmem_shared>>
      %dma_start3A_22 = arith.constant 0 : i32
      %dma_start3A_23 = tpu.memref_slice %arg3[%mul3A_0, %dma_start3A_22] : memref<10112x16xf32, #tpu.memory_space<hbm>> -> memref<632x16xf32, #tpu.memory_space<hbm>>
      tpu.enqueue_dma source(%dma_start3A_23 : memref<632x16xf32, #tpu.memory_space<hbm>>) target(%dma_start3A_21 : memref<632x16xf32, #tpu.memory_space<vmem_shared>>) target_semaphore(%run_scoped3A : memref<!tpu.dma_semaphore, #tpu.memory_space<semaphore_mem>>)
      %dma_wait3A = arith.constant 0 : i32
      %dma_wait3A_24 = tpu.memref_slice %arg7[%mul3A_2, %dma_wait3A] : memref<10112x16xf32, #tpu.memory_space<vmem_shared>> -> memref<632x16xf32, #tpu.memory_space<vmem_shared>>
      %dma_wait3A_25 = arith.constant 0 : i32
      %dma_wait3A_26 = tpu.memref_slice %arg3[%mul3A_0, %dma_wait3A_25] : memref<10112x16xf32, #tpu.memory_space<hbm>> -> memref<632x16xf32, #tpu.memory_space<hbm>>
      tpu.wait_dma2 semaphore(%run_scoped3A : memref<!tpu.dma_semaphore, #tpu.memory_space<semaphore_mem>>) src(%dma_wait3A_26 : memref<632x16xf32, #tpu.memory_space<hbm>>) dst(%dma_wait3A_24 : memref<632x16xf32, #tpu.memory_space<vmem_shared>>)
      tpu.yield
    }) : () -> ()
    %scan3A = arith.constant 0 : i32
    %scan3A_3 = arith.constant 128 : i32
    %scan3A_4 = arith.addi %scan3A, %scan3A_3 : i32
    %scan3A_5 = arith.constant 1 : i32
    scf.for %scan3A_21 = %scan3A to %scan3A_4 step %scan3A_5  : i32 {
      %mul3A_22 = arith.constant 1 : i32
      %mul3A_23 = arith.muli %scan3A_21, %mul3A_22 : i32
      %add3A_24 = arith.constant 0 : i32
      %add3A_25 = arith.addi %add3A_24, %mul3A_23 : i32
      %broadcast_in_dim3A = arith.constant 1.000000e+00 : f32
      %broadcast_in_dim3A_26 = vector.broadcast %broadcast_in_dim3A : f32 to vector<16xf32>
      %swap3A = arith.index_cast %add3A_25 : i32 to index
      %swap3A_27 = arith.constant 0 : index
      %swap3A_28 = tpu.vector_load %arg6[%swap3A, %swap3A_27] {strides = array<i32>} : memref<128x16xf32, #tpu.memory_space<vmem>>, vector<1x16xf32>,
      %swap3A_29 = vector.shape_cast %swap3A_28 : vector<1x16xf32> to vector<16xf32>
      %swap3A_30 = vector.shape_cast %broadcast_in_dim3A_26 : vector<16xf32> to vector<1x16xf32>
      tpu.vector_store %arg6[%swap3A, %swap3A_27], %swap3A_30 {strides = array<i32>} : memref<128x16xf32, #tpu.memory_space<vmem>>, vector<1x16xf32>,
    }
    %scan3A_6 = arith.constant 128 : i32
    %mul3A_7 = arith.constant 16 : i32
    %mul3A_8 = arith.muli %arg0, %mul3A_7 : i32
    %add3A = arith.addi %mul3A_8, %arg1 : i32
    %mul3A_9 = arith.constant 40 : i32
    %mul3A_10 = arith.muli %add3A, %mul3A_9 : i32
    "tpu.region"() ({
      %run_scoped3A = tpu.sem_alloc : memref<!tpu.dma_semaphore, #tpu.memory_space<semaphore_mem>>
      %dma_start3A = arith.constant 0 : i32
      %dma_start3A_21 = tpu.memref_slice %arg2[%mul3A_10, %dma_start3A] : memref<1280x128xi32, #tpu.memory_space<hbm>> -> memref<40x128xi32, #tpu.memory_space<hbm>>
      %dma_start3A_22 = arith.constant 0 : i32
      %dma_start3A_23 = tpu.memref_slice %arg2[%mul3A_10, %dma_start3A_22] : memref<1280x128xi32, #tpu.memory_space<hbm>> -> memref<40x128xi32, #tpu.memory_space<hbm>>
      tpu.enqueue_dma source(%dma_start3A_23 : memref<40x128xi32, #tpu.memory_space<hbm>>) target(%arg5 : memref<40x128xi32, #tpu.memory_space<vmem>>) target_semaphore(%run_scoped3A : memref<!tpu.dma_semaphore, #tpu.memory_space<semaphore_mem>>)
      %dma_wait3A = arith.constant 0 : i32
      %dma_wait3A_24 = tpu.memref_slice %arg2[%mul3A_10, %dma_wait3A] : memref<1280x128xi32, #tpu.memory_space<hbm>> -> memref<40x128xi32, #tpu.memory_space<hbm>>
      %dma_wait3A_25 = arith.constant 0 : i32
      %dma_wait3A_26 = tpu.memref_slice %arg2[%mul3A_10, %dma_wait3A_25] : memref<1280x128xi32, #tpu.memory_space<hbm>> -> memref<40x128xi32, #tpu.memory_space<hbm>>
      tpu.wait_dma2 semaphore(%run_scoped3A : memref<!tpu.dma_semaphore, #tpu.memory_space<semaphore_mem>>) src(%dma_wait3A_26 : memref<40x128xi32, #tpu.memory_space<hbm>>) dst(%arg5 : memref<40x128xi32, #tpu.memory_space<vmem>>)
      tpu.yield
    }) : () -> ()
    %barrier3A = arith.constant 0 : index
    tpu.barrier barrier_id(%barrier3A)
    %scan3A_11 = arith.constant 0 : i32
    %scan3A_12 = arith.constant 40 : i32
    %scan3A_13 = arith.addi %scan3A_11, %scan3A_12 : i32
    %scan3A_14 = arith.constant 1 : i32
    scf.for %scan3A_21 = %scan3A_11 to %scan3A_13 step %scan3A_14  : i32 {
      %mul3A_22 = arith.constant 1 : i32
      %mul3A_23 = arith.muli %scan3A_21, %mul3A_22 : i32
      %add3A_24 = arith.constant 0 : i32
      %add3A_25 = arith.addi %add3A_24, %mul3A_23 : i32
      "tpu.region"() ({
        %run_scoped3A = tpu.sem_alloc : memref<!tpu.dma_semaphore, #tpu.memory_space<semaphore_mem>>
        %dma_start3A = arith.constant 0 : i32
        %dma_start3A_26 = tpu.memref_slice %arg5[%add3A_25, %dma_start3A] : memref<40x128xi32, #tpu.memory_space<vmem>> -> memref<1x128xi32, #tpu.memory_space<vmem>>
        %dma_start3A_27 = tpu.memref_squeeze %dma_start3A_26 : memref<1x128xi32, #tpu.memory_space<vmem>> -> memref<128xi32, #tpu.memory_space<vmem>>
        %dma_start3A_28 = arith.constant 0 : i32
        %dma_start3A_29 = arith.constant 0 : i32
        %dma_start3A_30 = tpu.memref_slice %arg7[%dma_start3A_28, %dma_start3A_29] : memref<10112x16xf32, #tpu.memory_space<vmem_shared>> -> memref<10112x16xf32, #tpu.memory_space<vmem_shared>>
        tpu.enqueue_indirect_dma source(%arg6 : memref<128x16xf32, #tpu.memory_space<vmem>>) target(%dma_start3A_30 : memref<10112x16xf32, #tpu.memory_space<vmem_shared>>) offsets(%dma_start3A_27 : memref<128xi32, #tpu.memory_space<vmem>>) semaphore(%run_scoped3A : memref<!tpu.dma_semaphore, #tpu.memory_space<semaphore_mem>>) {add = true}
        %dma_wait3A = arith.constant 0 : i32
        %dma_wait3A_31 = tpu.memref_slice %arg5[%add3A_25, %dma_wait3A] : memref<40x128xi32, #tpu.memory_space<vmem>> -> memref<1x128xi32, #tpu.memory_space<vmem>>
        %dma_wait3A_32 = tpu.memref_squeeze %dma_wait3A_31 : memref<1x128xi32, #tpu.memory_space<vmem>> -> memref<128xi32, #tpu.memory_space<vmem>>
        %dma_wait3A_33 = arith.constant 0 : i32
        %dma_wait3A_34 = arith.constant 0 : i32
        %dma_wait3A_35 = tpu.memref_slice %arg7[%dma_wait3A_33, %dma_wait3A_34] : memref<10112x16xf32, #tpu.memory_space<vmem_shared>> -> memref<10112x16xf32, #tpu.memory_space<vmem_shared>>
        tpu.wait_indirect_dma semaphore(%run_scoped3A : memref<!tpu.dma_semaphore, #tpu.memory_space<semaphore_mem>>) src(%arg6 : memref<128x16xf32, #tpu.memory_space<vmem>>) dst(%dma_wait3A_35 : memref<10112x16xf32, #tpu.memory_space<vmem_shared>>)
        tpu.yield
      }) : () -> ()
    }
    %scan3A_15 = arith.constant 40 : i32
    %barrier3A_16 = arith.constant 0 : index
    tpu.barrier barrier_id(%barrier3A_16)
    %mul3A_17 = arith.constant 632 : i32
    %mul3A_18 = arith.muli %arg1, %mul3A_17 : i32
    %mul3A_19 = arith.constant 632 : i32
    %mul3A_20 = arith.muli %arg1, %mul3A_19 : i32
    "tpu.region"() ({
      %run_scoped3A = tpu.sem_alloc : memref<!tpu.dma_semaphore, #tpu.memory_space<semaphore_mem>>
      %dma_start3A = arith.constant 0 : i32
      %dma_start3A_21 = tpu.memref_slice %arg4[%arg0, %mul3A_20, %dma_start3A] : memref<2x10112x16xf32, #tpu.memory_space<hbm>> -> memref<1x632x16xf32, #tpu.memory_space<hbm>>
      %dma_start3A_22 = tpu.memref_squeeze %dma_start3A_21 : memref<1x632x16xf32, #tpu.memory_space<hbm>> -> memref<632x16xf32, #tpu.memory_space<hbm>>
      %dma_start3A_23 = arith.constant 0 : i32
      %dma_start3A_24 = tpu.memref_slice %arg7[%mul3A_18, %dma_start3A_23] : memref<10112x16xf32, #tpu.memory_space<vmem_shared>> -> memref<632x16xf32, #tpu.memory_space<vmem_shared>>
      tpu.enqueue_dma source(%dma_start3A_24 : memref<632x16xf32, #tpu.memory_space<vmem_shared>>) target(%dma_start3A_22 : memref<632x16xf32, #tpu.memory_space<hbm>>) target_semaphore(%run_scoped3A : memref<!tpu.dma_semaphore, #tpu.memory_space<semaphore_mem>>)
      %dma_wait3A = arith.constant 0 : i32
      %dma_wait3A_25 = tpu.memref_slice %arg4[%arg0, %mul3A_20, %dma_wait3A] : memref<2x10112x16xf32, #tpu.memory_space<hbm>> -> memref<1x632x16xf32, #tpu.memory_space<hbm>>
      %dma_wait3A_26 = tpu.memref_squeeze %dma_wait3A_25 : memref<1x632x16xf32, #tpu.memory_space<hbm>> -> memref<632x16xf32, #tpu.memory_space<hbm>>
      %dma_wait3A_27 = arith.constant 0 : i32
      %dma_wait3A_28 = tpu.memref_slice %arg7[%mul3A_18, %dma_wait3A_27] : memref<10112x16xf32, #tpu.memory_space<vmem_shared>> -> memref<632x16xf32, #tpu.memory_space<vmem_shared>>
      tpu.wait_dma2 semaphore(%run_scoped3A : memref<!tpu.dma_semaphore, #tpu.memory_space<semaphore_mem>>) src(%dma_wait3A_28 : memref<632x16xf32, #tpu.memory_space<vmem_shared>>) dst(%dma_wait3A_26 : memref<632x16xf32, #tpu.memory_space<hbm>>)
      tpu.yield
    }) : () -> ()
    return
  }
}

#map = affine_map<(d0, d1) -> (0, 0)>
#map1 = affine_map<(d0, d1) -> (0, 0, 0)>
module attributes {stable_mosaic.version = 14 : i64} {
  func.func @prop_kernel(%arg0: i32, %arg1: i32, %arg2: memref<20000x128xf32, #tpu.memory_space<hbm>>, %arg3: memref<2x1280x128xi32, #tpu.memory_space<hbm>>, %arg4: memref<1280x128xi32, #tpu.memory_space<hbm>>, %arg5: memref<10112x128xf32, #tpu.memory_space<hbm>>, %arg6: memref<2x10112x128xf32, #tpu.memory_space<hbm>>, %arg7: memref<40x128xi32, #tpu.memory_space<vmem>>, %arg8: memref<40x128xi32, #tpu.memory_space<vmem>>, %arg9: memref<128x128xf32, #tpu.memory_space<vmem>>, %arg10: memref<10112x128xf32, #tpu.memory_space<vmem_shared>>) attributes {dimension_semantics = [#tpu.dimension_semantics<core_parallel>, #tpu.dimension_semantics<subcore_parallel>], iteration_bounds = array<i64: 2, 16>, scalar_prefetch = 0 : i64, scratch_operands = 4 : i64, tpu.core_type = #tpu.core_type<sc_vector_subcore>, window_params = [{transform_indices = #map}, {transform_indices = #map1}, {transform_indices = #map}, {transform_indices = #map}, {transform_indices = #map1}]} {
    %mul3A = arith.constant 632 : i32
    %mul3A_0 = arith.muli %arg1, %mul3A : i32
    %mul3A_1 = arith.constant 632 : i32
    %mul3A_2 = arith.muli %arg1, %mul3A_1 : i32
    "tpu.region"() ({
      %run_scoped3A = tpu.sem_alloc : memref<!tpu.dma_semaphore, #tpu.memory_space<semaphore_mem>>
      %dma_start3A = arith.constant 0 : i32
      %dma_start3A_24 = tpu.memref_slice %arg10[%mul3A_2, %dma_start3A] : memref<10112x128xf32, #tpu.memory_space<vmem_shared>> -> memref<632x128xf32, #tpu.memory_space<vmem_shared>>
      %dma_start3A_25 = arith.constant 0 : i32
      %dma_start3A_26 = tpu.memref_slice %arg5[%mul3A_0, %dma_start3A_25] : memref<10112x128xf32, #tpu.memory_space<hbm>> -> memref<632x128xf32, #tpu.memory_space<hbm>>
      tpu.enqueue_dma source(%dma_start3A_26 : memref<632x128xf32, #tpu.memory_space<hbm>>) target(%dma_start3A_24 : memref<632x128xf32, #tpu.memory_space<vmem_shared>>) target_semaphore(%run_scoped3A : memref<!tpu.dma_semaphore, #tpu.memory_space<semaphore_mem>>)
      %dma_wait3A = arith.constant 0 : i32
      %dma_wait3A_27 = tpu.memref_slice %arg10[%mul3A_2, %dma_wait3A] : memref<10112x128xf32, #tpu.memory_space<vmem_shared>> -> memref<632x128xf32, #tpu.memory_space<vmem_shared>>
      %dma_wait3A_28 = arith.constant 0 : i32
      %dma_wait3A_29 = tpu.memref_slice %arg5[%mul3A_0, %dma_wait3A_28] : memref<10112x128xf32, #tpu.memory_space<hbm>> -> memref<632x128xf32, #tpu.memory_space<hbm>>
      tpu.wait_dma2 semaphore(%run_scoped3A : memref<!tpu.dma_semaphore, #tpu.memory_space<semaphore_mem>>) src(%dma_wait3A_29 : memref<632x128xf32, #tpu.memory_space<hbm>>) dst(%dma_wait3A_27 : memref<632x128xf32, #tpu.memory_space<vmem_shared>>)
      tpu.yield
    }) : () -> ()
    %barrier3A = arith.constant 0 : index
    tpu.barrier barrier_id(%barrier3A)
    %mul3A_3 = arith.constant 80 : i32
    %mul3A_4 = arith.muli %arg1, %mul3A_3 : i32
    %add3A = arith.constant 0 : i32
    %add3A_5 = arith.addi %mul3A_4, %add3A : i32
    "tpu.region"() ({
      %run_scoped3A = tpu.sem_alloc : memref<!tpu.dma_semaphore, #tpu.memory_space<semaphore_mem>>
      %dma_start3A = arith.constant 0 : i32
      %dma_start3A_24 = tpu.memref_slice %arg3[%arg0, %add3A_5, %dma_start3A] : memref<2x1280x128xi32, #tpu.memory_space<hbm>> -> memref<1x40x128xi32, #tpu.memory_space<hbm>>
      %dma_start3A_25 = tpu.memref_squeeze %dma_start3A_24 : memref<1x40x128xi32, #tpu.memory_space<hbm>> -> memref<40x128xi32, #tpu.memory_space<hbm>>
      %dma_start3A_26 = arith.constant 0 : i32
      %dma_start3A_27 = tpu.memref_slice %arg3[%arg0, %add3A_5, %dma_start3A_26] : memref<2x1280x128xi32, #tpu.memory_space<hbm>> -> memref<1x40x128xi32, #tpu.memory_space<hbm>>
      %dma_start3A_28 = tpu.memref_squeeze %dma_start3A_27 : memref<1x40x128xi32, #tpu.memory_space<hbm>> -> memref<40x128xi32, #tpu.memory_space<hbm>>
      tpu.enqueue_dma source(%dma_start3A_28 : memref<40x128xi32, #tpu.memory_space<hbm>>) target(%arg7 : memref<40x128xi32, #tpu.memory_space<vmem>>) target_semaphore(%run_scoped3A : memref<!tpu.dma_semaphore, #tpu.memory_space<semaphore_mem>>)
      %dma_wait3A = arith.constant 0 : i32
      %dma_wait3A_29 = tpu.memref_slice %arg3[%arg0, %add3A_5, %dma_wait3A] : memref<2x1280x128xi32, #tpu.memory_space<hbm>> -> memref<1x40x128xi32, #tpu.memory_space<hbm>>
      %dma_wait3A_30 = tpu.memref_squeeze %dma_wait3A_29 : memref<1x40x128xi32, #tpu.memory_space<hbm>> -> memref<40x128xi32, #tpu.memory_space<hbm>>
      %dma_wait3A_31 = arith.constant 0 : i32
      %dma_wait3A_32 = tpu.memref_slice %arg3[%arg0, %add3A_5, %dma_wait3A_31] : memref<2x1280x128xi32, #tpu.memory_space<hbm>> -> memref<1x40x128xi32, #tpu.memory_space<hbm>>
      %dma_wait3A_33 = tpu.memref_squeeze %dma_wait3A_32 : memref<1x40x128xi32, #tpu.memory_space<hbm>> -> memref<40x128xi32, #tpu.memory_space<hbm>>
      tpu.wait_dma2 semaphore(%run_scoped3A : memref<!tpu.dma_semaphore, #tpu.memory_space<semaphore_mem>>) src(%dma_wait3A_33 : memref<40x128xi32, #tpu.memory_space<hbm>>) dst(%arg7 : memref<40x128xi32, #tpu.memory_space<vmem>>)
      tpu.yield
    }) : () -> ()
    "tpu.region"() ({
      %run_scoped3A = tpu.sem_alloc : memref<!tpu.dma_semaphore, #tpu.memory_space<semaphore_mem>>
      %dma_start3A = arith.constant 0 : i32
      %dma_start3A_24 = tpu.memref_slice %arg4[%add3A_5, %dma_start3A] : memref<1280x128xi32, #tpu.memory_space<hbm>> -> memref<40x128xi32, #tpu.memory_space<hbm>>
      %dma_start3A_25 = arith.constant 0 : i32
      %dma_start3A_26 = tpu.memref_slice %arg4[%add3A_5, %dma_start3A_25] : memref<1280x128xi32, #tpu.memory_space<hbm>> -> memref<40x128xi32, #tpu.memory_space<hbm>>
      tpu.enqueue_dma source(%dma_start3A_26 : memref<40x128xi32, #tpu.memory_space<hbm>>) target(%arg8 : memref<40x128xi32, #tpu.memory_space<vmem>>) target_semaphore(%run_scoped3A : memref<!tpu.dma_semaphore, #tpu.memory_space<semaphore_mem>>)
      %dma_wait3A = arith.constant 0 : i32
      %dma_wait3A_27 = tpu.memref_slice %arg4[%add3A_5, %dma_wait3A] : memref<1280x128xi32, #tpu.memory_space<hbm>> -> memref<40x128xi32, #tpu.memory_space<hbm>>
      %dma_wait3A_28 = arith.constant 0 : i32
      %dma_wait3A_29 = tpu.memref_slice %arg4[%add3A_5, %dma_wait3A_28] : memref<1280x128xi32, #tpu.memory_space<hbm>> -> memref<40x128xi32, #tpu.memory_space<hbm>>
      tpu.wait_dma2 semaphore(%run_scoped3A : memref<!tpu.dma_semaphore, #tpu.memory_space<semaphore_mem>>) src(%dma_wait3A_29 : memref<40x128xi32, #tpu.memory_space<hbm>>) dst(%arg8 : memref<40x128xi32, #tpu.memory_space<vmem>>)
      tpu.yield
    }) : () -> ()
    %scan3A = arith.constant 0 : i32
    %scan3A_6 = arith.constant 40 : i32
    %scan3A_7 = arith.addi %scan3A, %scan3A_6 : i32
    %scan3A_8 = arith.constant 1 : i32
    scf.for %scan3A_24 = %scan3A to %scan3A_7 step %scan3A_8  : i32 {
      %mul3A_25 = arith.constant 1 : i32
      %mul3A_26 = arith.muli %scan3A_24, %mul3A_25 : i32
      %add3A_27 = arith.constant 0 : i32
      %add3A_28 = arith.addi %add3A_27, %mul3A_26 : i32
      "tpu.region"() ({
        %run_scoped3A = tpu.sem_alloc : memref<!tpu.dma_semaphore, #tpu.memory_space<semaphore_mem>>
        %dma_start3A = arith.constant 0 : i32
        %dma_start3A_29 = tpu.memref_slice %arg7[%add3A_28, %dma_start3A] : memref<40x128xi32, #tpu.memory_space<vmem>> -> memref<1x128xi32, #tpu.memory_space<vmem>>
        %dma_start3A_30 = tpu.memref_squeeze %dma_start3A_29 : memref<1x128xi32, #tpu.memory_space<vmem>> -> memref<128xi32, #tpu.memory_space<vmem>>
        %dma_start3A_31 = arith.constant 0 : i32
        %dma_start3A_32 = arith.constant 0 : i32
        %dma_start3A_33 = tpu.memref_slice %arg2[%dma_start3A_31, %dma_start3A_32] : memref<20000x128xf32, #tpu.memory_space<hbm>> -> memref<20000x128xf32, #tpu.memory_space<hbm>>
        tpu.enqueue_indirect_dma source(%dma_start3A_33 : memref<20000x128xf32, #tpu.memory_space<hbm>>) target(%arg9 : memref<128x128xf32, #tpu.memory_space<vmem>>) offsets(%dma_start3A_30 : memref<128xi32, #tpu.memory_space<vmem>>) semaphore(%run_scoped3A : memref<!tpu.dma_semaphore, #tpu.memory_space<semaphore_mem>>)
        %dma_wait3A = arith.constant 0 : i32
        %dma_wait3A_34 = tpu.memref_slice %arg7[%add3A_28, %dma_wait3A] : memref<40x128xi32, #tpu.memory_space<vmem>> -> memref<1x128xi32, #tpu.memory_space<vmem>>
        %dma_wait3A_35 = tpu.memref_squeeze %dma_wait3A_34 : memref<1x128xi32, #tpu.memory_space<vmem>> -> memref<128xi32, #tpu.memory_space<vmem>>
        %dma_wait3A_36 = arith.constant 0 : i32
        %dma_wait3A_37 = arith.constant 0 : i32
        %dma_wait3A_38 = tpu.memref_slice %arg2[%dma_wait3A_36, %dma_wait3A_37] : memref<20000x128xf32, #tpu.memory_space<hbm>> -> memref<20000x128xf32, #tpu.memory_space<hbm>>
        tpu.wait_indirect_dma semaphore(%run_scoped3A : memref<!tpu.dma_semaphore, #tpu.memory_space<semaphore_mem>>) src(%dma_wait3A_38 : memref<20000x128xf32, #tpu.memory_space<hbm>>) dst(%arg9 : memref<128x128xf32, #tpu.memory_space<vmem>>)
        tpu.yield
      }) : () -> ()
      "tpu.region"() ({
        %run_scoped3A = tpu.sem_alloc : memref<!tpu.dma_semaphore, #tpu.memory_space<semaphore_mem>>
        %dma_start3A = arith.constant 0 : i32
        %dma_start3A_29 = tpu.memref_slice %arg8[%add3A_28, %dma_start3A] : memref<40x128xi32, #tpu.memory_space<vmem>> -> memref<1x128xi32, #tpu.memory_space<vmem>>
        %dma_start3A_30 = tpu.memref_squeeze %dma_start3A_29 : memref<1x128xi32, #tpu.memory_space<vmem>> -> memref<128xi32, #tpu.memory_space<vmem>>
        %dma_start3A_31 = arith.constant 0 : i32
        %dma_start3A_32 = arith.constant 0 : i32
        %dma_start3A_33 = tpu.memref_slice %arg10[%dma_start3A_31, %dma_start3A_32] : memref<10112x128xf32, #tpu.memory_space<vmem_shared>> -> memref<10112x128xf32, #tpu.memory_space<vmem_shared>>
        tpu.enqueue_indirect_dma source(%arg9 : memref<128x128xf32, #tpu.memory_space<vmem>>) target(%dma_start3A_33 : memref<10112x128xf32, #tpu.memory_space<vmem_shared>>) offsets(%dma_start3A_30 : memref<128xi32, #tpu.memory_space<vmem>>) semaphore(%run_scoped3A : memref<!tpu.dma_semaphore, #tpu.memory_space<semaphore_mem>>) {add = true}
        %dma_wait3A = arith.constant 0 : i32
        %dma_wait3A_34 = tpu.memref_slice %arg8[%add3A_28, %dma_wait3A] : memref<40x128xi32, #tpu.memory_space<vmem>> -> memref<1x128xi32, #tpu.memory_space<vmem>>
        %dma_wait3A_35 = tpu.memref_squeeze %dma_wait3A_34 : memref<1x128xi32, #tpu.memory_space<vmem>> -> memref<128xi32, #tpu.memory_space<vmem>>
        %dma_wait3A_36 = arith.constant 0 : i32
        %dma_wait3A_37 = arith.constant 0 : i32
        %dma_wait3A_38 = tpu.memref_slice %arg10[%dma_wait3A_36, %dma_wait3A_37] : memref<10112x128xf32, #tpu.memory_space<vmem_shared>> -> memref<10112x128xf32, #tpu.memory_space<vmem_shared>>
        tpu.wait_indirect_dma semaphore(%run_scoped3A : memref<!tpu.dma_semaphore, #tpu.memory_space<semaphore_mem>>) src(%arg9 : memref<128x128xf32, #tpu.memory_space<vmem>>) dst(%dma_wait3A_38 : memref<10112x128xf32, #tpu.memory_space<vmem_shared>>)
        tpu.yield
      }) : () -> ()
    }
    %scan3A_9 = arith.constant 40 : i32
    %mul3A_10 = arith.constant 80 : i32
    %mul3A_11 = arith.muli %arg1, %mul3A_10 : i32
    %add3A_12 = arith.constant 40 : i32
    %add3A_13 = arith.addi %mul3A_11, %add3A_12 : i32
    "tpu.region"() ({
      %run_scoped3A = tpu.sem_alloc : memref<!tpu.dma_semaphore, #tpu.memory_space<semaphore_mem>>
      %dma_start3A = arith.constant 0 : i32
      %dma_start3A_24 = tpu.memref_slice %arg3[%arg0, %add3A_13, %dma_start3A] : memref<2x1280x128xi32, #tpu.memory_space<hbm>> -> memref<1x40x128xi32, #tpu.memory_space<hbm>>
      %dma_start3A_25 = tpu.memref_squeeze %dma_start3A_24 : memref<1x40x128xi32, #tpu.memory_space<hbm>> -> memref<40x128xi32, #tpu.memory_space<hbm>>
      %dma_start3A_26 = arith.constant 0 : i32
      %dma_start3A_27 = tpu.memref_slice %arg3[%arg0, %add3A_13, %dma_start3A_26] : memref<2x1280x128xi32, #tpu.memory_space<hbm>> -> memref<1x40x128xi32, #tpu.memory_space<hbm>>
      %dma_start3A_28 = tpu.memref_squeeze %dma_start3A_27 : memref<1x40x128xi32, #tpu.memory_space<hbm>> -> memref<40x128xi32, #tpu.memory_space<hbm>>
      tpu.enqueue_dma source(%dma_start3A_28 : memref<40x128xi32, #tpu.memory_space<hbm>>) target(%arg7 : memref<40x128xi32, #tpu.memory_space<vmem>>) target_semaphore(%run_scoped3A : memref<!tpu.dma_semaphore, #tpu.memory_space<semaphore_mem>>)
      %dma_wait3A = arith.constant 0 : i32
      %dma_wait3A_29 = tpu.memref_slice %arg3[%arg0, %add3A_13, %dma_wait3A] : memref<2x1280x128xi32, #tpu.memory_space<hbm>> -> memref<1x40x128xi32, #tpu.memory_space<hbm>>
      %dma_wait3A_30 = tpu.memref_squeeze %dma_wait3A_29 : memref<1x40x128xi32, #tpu.memory_space<hbm>> -> memref<40x128xi32, #tpu.memory_space<hbm>>
      %dma_wait3A_31 = arith.constant 0 : i32
      %dma_wait3A_32 = tpu.memref_slice %arg3[%arg0, %add3A_13, %dma_wait3A_31] : memref<2x1280x128xi32, #tpu.memory_space<hbm>> -> memref<1x40x128xi32, #tpu.memory_space<hbm>>
      %dma_wait3A_33 = tpu.memref_squeeze %dma_wait3A_32 : memref<1x40x128xi32, #tpu.memory_space<hbm>> -> memref<40x128xi32, #tpu.memory_space<hbm>>
      tpu.wait_dma2 semaphore(%run_scoped3A : memref<!tpu.dma_semaphore, #tpu.memory_space<semaphore_mem>>) src(%dma_wait3A_33 : memref<40x128xi32, #tpu.memory_space<hbm>>) dst(%arg7 : memref<40x128xi32, #tpu.memory_space<vmem>>)
      tpu.yield
    }) : () -> ()
    "tpu.region"() ({
      %run_scoped3A = tpu.sem_alloc : memref<!tpu.dma_semaphore, #tpu.memory_space<semaphore_mem>>
      %dma_start3A = arith.constant 0 : i32
      %dma_start3A_24 = tpu.memref_slice %arg4[%add3A_13, %dma_start3A] : memref<1280x128xi32, #tpu.memory_space<hbm>> -> memref<40x128xi32, #tpu.memory_space<hbm>>
      %dma_start3A_25 = arith.constant 0 : i32
      %dma_start3A_26 = tpu.memref_slice %arg4[%add3A_13, %dma_start3A_25] : memref<1280x128xi32, #tpu.memory_space<hbm>> -> memref<40x128xi32, #tpu.memory_space<hbm>>
      tpu.enqueue_dma source(%dma_start3A_26 : memref<40x128xi32, #tpu.memory_space<hbm>>) target(%arg8 : memref<40x128xi32, #tpu.memory_space<vmem>>) target_semaphore(%run_scoped3A : memref<!tpu.dma_semaphore, #tpu.memory_space<semaphore_mem>>)
      %dma_wait3A = arith.constant 0 : i32
      %dma_wait3A_27 = tpu.memref_slice %arg4[%add3A_13, %dma_wait3A] : memref<1280x128xi32, #tpu.memory_space<hbm>> -> memref<40x128xi32, #tpu.memory_space<hbm>>
      %dma_wait3A_28 = arith.constant 0 : i32
      %dma_wait3A_29 = tpu.memref_slice %arg4[%add3A_13, %dma_wait3A_28] : memref<1280x128xi32, #tpu.memory_space<hbm>> -> memref<40x128xi32, #tpu.memory_space<hbm>>
      tpu.wait_dma2 semaphore(%run_scoped3A : memref<!tpu.dma_semaphore, #tpu.memory_space<semaphore_mem>>) src(%dma_wait3A_29 : memref<40x128xi32, #tpu.memory_space<hbm>>) dst(%arg8 : memref<40x128xi32, #tpu.memory_space<vmem>>)
      tpu.yield
    }) : () -> ()
    %scan3A_14 = arith.constant 0 : i32
    %scan3A_15 = arith.constant 40 : i32
    %scan3A_16 = arith.addi %scan3A_14, %scan3A_15 : i32
    %scan3A_17 = arith.constant 1 : i32
    scf.for %scan3A_24 = %scan3A_14 to %scan3A_16 step %scan3A_17  : i32 {
      %mul3A_25 = arith.constant 1 : i32
      %mul3A_26 = arith.muli %scan3A_24, %mul3A_25 : i32
      %add3A_27 = arith.constant 0 : i32
      %add3A_28 = arith.addi %add3A_27, %mul3A_26 : i32
      "tpu.region"() ({
        %run_scoped3A = tpu.sem_alloc : memref<!tpu.dma_semaphore, #tpu.memory_space<semaphore_mem>>
        %dma_start3A = arith.constant 0 : i32
        %dma_start3A_29 = tpu.memref_slice %arg7[%add3A_28, %dma_start3A] : memref<40x128xi32, #tpu.memory_space<vmem>> -> memref<1x128xi32, #tpu.memory_space<vmem>>
        %dma_start3A_30 = tpu.memref_squeeze %dma_start3A_29 : memref<1x128xi32, #tpu.memory_space<vmem>> -> memref<128xi32, #tpu.memory_space<vmem>>
        %dma_start3A_31 = arith.constant 0 : i32
        %dma_start3A_32 = arith.constant 0 : i32
        %dma_start3A_33 = tpu.memref_slice %arg2[%dma_start3A_31, %dma_start3A_32] : memref<20000x128xf32, #tpu.memory_space<hbm>> -> memref<20000x128xf32, #tpu.memory_space<hbm>>
        tpu.enqueue_indirect_dma source(%dma_start3A_33 : memref<20000x128xf32, #tpu.memory_space<hbm>>) target(%arg9 : memref<128x128xf32, #tpu.memory_space<vmem>>) offsets(%dma_start3A_30 : memref<128xi32, #tpu.memory_space<vmem>>) semaphore(%run_scoped3A : memref<!tpu.dma_semaphore, #tpu.memory_space<semaphore_mem>>)
        %dma_wait3A = arith.constant 0 : i32
        %dma_wait3A_34 = tpu.memref_slice %arg7[%add3A_28, %dma_wait3A] : memref<40x128xi32, #tpu.memory_space<vmem>> -> memref<1x128xi32, #tpu.memory_space<vmem>>
        %dma_wait3A_35 = tpu.memref_squeeze %dma_wait3A_34 : memref<1x128xi32, #tpu.memory_space<vmem>> -> memref<128xi32, #tpu.memory_space<vmem>>
        %dma_wait3A_36 = arith.constant 0 : i32
        %dma_wait3A_37 = arith.constant 0 : i32
        %dma_wait3A_38 = tpu.memref_slice %arg2[%dma_wait3A_36, %dma_wait3A_37] : memref<20000x128xf32, #tpu.memory_space<hbm>> -> memref<20000x128xf32, #tpu.memory_space<hbm>>
        tpu.wait_indirect_dma semaphore(%run_scoped3A : memref<!tpu.dma_semaphore, #tpu.memory_space<semaphore_mem>>) src(%dma_wait3A_38 : memref<20000x128xf32, #tpu.memory_space<hbm>>) dst(%arg9 : memref<128x128xf32, #tpu.memory_space<vmem>>)
        tpu.yield
      }) : () -> ()
      "tpu.region"() ({
        %run_scoped3A = tpu.sem_alloc : memref<!tpu.dma_semaphore, #tpu.memory_space<semaphore_mem>>
        %dma_start3A = arith.constant 0 : i32
        %dma_start3A_29 = tpu.memref_slice %arg8[%add3A_28, %dma_start3A] : memref<40x128xi32, #tpu.memory_space<vmem>> -> memref<1x128xi32, #tpu.memory_space<vmem>>
        %dma_start3A_30 = tpu.memref_squeeze %dma_start3A_29 : memref<1x128xi32, #tpu.memory_space<vmem>> -> memref<128xi32, #tpu.memory_space<vmem>>
        %dma_start3A_31 = arith.constant 0 : i32
        %dma_start3A_32 = arith.constant 0 : i32
        %dma_start3A_33 = tpu.memref_slice %arg10[%dma_start3A_31, %dma_start3A_32] : memref<10112x128xf32, #tpu.memory_space<vmem_shared>> -> memref<10112x128xf32, #tpu.memory_space<vmem_shared>>
        tpu.enqueue_indirect_dma source(%arg9 : memref<128x128xf32, #tpu.memory_space<vmem>>) target(%dma_start3A_33 : memref<10112x128xf32, #tpu.memory_space<vmem_shared>>) offsets(%dma_start3A_30 : memref<128xi32, #tpu.memory_space<vmem>>) semaphore(%run_scoped3A : memref<!tpu.dma_semaphore, #tpu.memory_space<semaphore_mem>>) {add = true}
        %dma_wait3A = arith.constant 0 : i32
        %dma_wait3A_34 = tpu.memref_slice %arg8[%add3A_28, %dma_wait3A] : memref<40x128xi32, #tpu.memory_space<vmem>> -> memref<1x128xi32, #tpu.memory_space<vmem>>
        %dma_wait3A_35 = tpu.memref_squeeze %dma_wait3A_34 : memref<1x128xi32, #tpu.memory_space<vmem>> -> memref<128xi32, #tpu.memory_space<vmem>>
        %dma_wait3A_36 = arith.constant 0 : i32
        %dma_wait3A_37 = arith.constant 0 : i32
        %dma_wait3A_38 = tpu.memref_slice %arg10[%dma_wait3A_36, %dma_wait3A_37] : memref<10112x128xf32, #tpu.memory_space<vmem_shared>> -> memref<10112x128xf32, #tpu.memory_space<vmem_shared>>
        tpu.wait_indirect_dma semaphore(%run_scoped3A : memref<!tpu.dma_semaphore, #tpu.memory_space<semaphore_mem>>) src(%arg9 : memref<128x128xf32, #tpu.memory_space<vmem>>) dst(%dma_wait3A_38 : memref<10112x128xf32, #tpu.memory_space<vmem_shared>>)
        tpu.yield
      }) : () -> ()
    }
    %scan3A_18 = arith.constant 40 : i32
    %barrier3A_19 = arith.constant 0 : index
    tpu.barrier barrier_id(%barrier3A_19)
    %mul3A_20 = arith.constant 632 : i32
    %mul3A_21 = arith.muli %arg1, %mul3A_20 : i32
    %mul3A_22 = arith.constant 632 : i32
    %mul3A_23 = arith.muli %arg1, %mul3A_22 : i32
    "tpu.region"() ({
      %run_scoped3A = tpu.sem_alloc : memref<!tpu.dma_semaphore, #tpu.memory_space<semaphore_mem>>
      %dma_start3A = arith.constant 0 : i32
      %dma_start3A_24 = tpu.memref_slice %arg6[%arg0, %mul3A_23, %dma_start3A] : memref<2x10112x128xf32, #tpu.memory_space<hbm>> -> memref<1x632x128xf32, #tpu.memory_space<hbm>>
      %dma_start3A_25 = tpu.memref_squeeze %dma_start3A_24 : memref<1x632x128xf32, #tpu.memory_space<hbm>> -> memref<632x128xf32, #tpu.memory_space<hbm>>
      %dma_start3A_26 = arith.constant 0 : i32
      %dma_start3A_27 = tpu.memref_slice %arg10[%mul3A_21, %dma_start3A_26] : memref<10112x128xf32, #tpu.memory_space<vmem_shared>> -> memref<632x128xf32, #tpu.memory_space<vmem_shared>>
      tpu.enqueue_dma source(%dma_start3A_27 : memref<632x128xf32, #tpu.memory_space<vmem_shared>>) target(%dma_start3A_25 : memref<632x128xf32, #tpu.memory_space<hbm>>) target_semaphore(%run_scoped3A : memref<!tpu.dma_semaphore, #tpu.memory_space<semaphore_mem>>)
      %dma_wait3A = arith.constant 0 : i32
      %dma_wait3A_28 = tpu.memref_slice %arg6[%arg0, %mul3A_23, %dma_wait3A] : memref<2x10112x128xf32, #tpu.memory_space<hbm>> -> memref<1x632x128xf32, #tpu.memory_space<hbm>>
      %dma_wait3A_29 = tpu.memref_squeeze %dma_wait3A_28 : memref<1x632x128xf32, #tpu.memory_space<hbm>> -> memref<632x128xf32, #tpu.memory_space<hbm>>
      %dma_wait3A_30 = arith.constant 0 : i32
      %dma_wait3A_31 = tpu.memref_slice %arg10[%mul3A_21, %dma_wait3A_30] : memref<10112x128xf32, #tpu.memory_space<vmem_shared>> -> memref<632x128xf32, #tpu.memory_space<vmem_shared>>
      tpu.wait_dma2 semaphore(%run_scoped3A : memref<!tpu.dma_semaphore, #tpu.memory_space<semaphore_mem>>) src(%dma_wait3A_31 : memref<632x128xf32, #tpu.memory_space<vmem_shared>>) dst(%dma_wait3A_29 : memref<632x128xf32, #tpu.memory_space<hbm>>)
      tpu.yield
    }) : () -> ()
    return
  }
}

module attributes {stable_mosaic.version = 14 : i64} {
  func.func @_mm_kernel(%arg0: i32, %arg1: memref<1000x256xf32, #tpu.memory_space<vmem>>, %arg2: memref<256x256xf32, #tpu.memory_space<vmem>>, %arg3: memref<1000x256xf32, #tpu.memory_space<vmem>>) attributes {dimension_semantics = [#tpu.dimension_semantics<arbitrary>], iteration_bounds = array<i64: 10>, scalar_prefetch = 0 : i64, scratch_operands = 0 : i64, tpu.core_type = #tpu.core_type<tc>, window_params = [{transform_indices = @transform_0, window_bounds = array<i64: 1000, 256>}, {pipeline_mode = #tpu.pipeline_mode<synchronous>, transform_indices = @transform_1, window_bounds = array<i64: 256, 256>}, {transform_indices = @transform_2, window_bounds = array<i64: 1000, 256>}]} {
    %get3A = arith.constant 0 : index
    %get3A_0 = arith.constant 0 : index
    %get3A_1 = vector.load %arg1[%get3A, %get3A_0] : memref<1000x256xf32, #tpu.memory_space<vmem>>, vector<1000x256xf32>
    %get3A_2 = arith.constant 0 : index
    %get3A_3 = arith.constant 0 : index
    %get3A_4 = vector.load %arg2[%get3A_2, %get3A_3] : memref<256x256xf32, #tpu.memory_space<vmem>>, vector<256x256xf32>
    %dot_general3A = arith.constant dense<0.000000e+00> : vector<1000x256xf32>
    %dot_general3A_5 = tpu.matmul %get3A_1, %get3A_4, %dot_general3A {dimension_numbers = #tpu.dot_dimension_numbers<[1], [0], [0], [1], [0, 0, 1, 1], [], []>, transpose_lhs_hint = false} : vector<1000x256xf32>, vector<256x256xf32>, vector<1000x256xf32> -> vector<1000x256xf32>
    %swap3A = arith.constant 0 : index
    %swap3A_6 = arith.constant 0 : index
    %swap3A_7 = vector.load %arg3[%swap3A, %swap3A_6] : memref<1000x256xf32, #tpu.memory_space<vmem>>, vector<1000x256xf32>
    tpu.vector_store %arg3[%swap3A, %swap3A_6], %dot_general3A_5 {strides = array<i32>} : memref<1000x256xf32, #tpu.memory_space<vmem>>, vector<1000x256xf32>,
    return
  }
  func.func @transform_0(%arg0: i32) -> (i32, i32) {
    %c0_i32 = arith.constant 0 : i32
    %c0_i32_0 = arith.constant 0 : i32
    return %arg0, %c0_i32 : i32, i32
  }
  func.func @transform_1(%arg0: i32) -> (i32, i32) {
    %c0_i32 = arith.constant 0 : i32
    %c0_i32_0 = arith.constant 0 : i32
    %c0_i32_1 = arith.constant 0 : i32
    return %c0_i32, %c0_i32_0 : i32, i32
  }
  func.func @transform_2(%arg0: i32) -> (i32, i32) {
    %c0_i32 = arith.constant 0 : i32
    %c0_i32_0 = arith.constant 0 : i32
    return %arg0, %c0_i32 : i32, i32
  }
}

module attributes {stable_mosaic.version = 14 : i64} {
  func.func @_scale1_kernel(%arg0: i32, %arg1: i32, %arg2: memref<1000x128xf32, #tpu.memory_space<vmem>>, %arg3: memref<2x1000x16xf32, #tpu.memory_space<vmem>>, %arg4: memref<1x1000x128xf32, #tpu.memory_space<vmem>>) attributes {dimension_semantics = [#tpu.dimension_semantics<arbitrary>, #tpu.dimension_semantics<arbitrary>], iteration_bounds = array<i64: 10, 2>, scalar_prefetch = 0 : i64, scratch_operands = 0 : i64, tpu.core_type = #tpu.core_type<tc>, window_params = [{transform_indices = @transform_0, window_bounds = array<i64: 1000, 128>}, {transform_indices = @transform_1, window_bounds = array<i64: 2, 1000, 16>}, {transform_indices = @transform_2, window_bounds = array<i64: 1, 1000, 128>}]} {
    %get3A = arith.constant 0 : index
    %get3A_0 = arith.constant 0 : index
    %get3A_1 = vector.load %arg2[%get3A, %get3A_0] : memref<1000x128xf32, #tpu.memory_space<vmem>>, vector<1000x128xf32>
    %get3A_2 = arith.constant 0 : index
    %get3A_3 = arith.constant 0 : index
    %get3A_4 = arith.constant 0 : index
    %get3A_5 = vector.load %arg3[%get3A_2, %get3A_3, %get3A_4] : memref<2x1000x16xf32, #tpu.memory_space<vmem>>, vector<2x1000x16xf32>
    %slice3A = vector.extract_strided_slice %get3A_5 {offsets = [0, 0, 0], sizes = [1, 1000, 1], strides = [1, 1, 1]} : vector<2x1000x16xf32> to vector<1x1000x1xf32>
    %squeeze3A = vector.shape_cast %slice3A : vector<1x1000x1xf32> to vector<1000xf32>
    %slice3A_6 = vector.extract_strided_slice %get3A_5 {offsets = [1, 0, 0], sizes = [1, 1000, 1], strides = [1, 1, 1]} : vector<2x1000x16xf32> to vector<1x1000x1xf32>
    %squeeze3A_7 = vector.shape_cast %slice3A_6 : vector<1x1000x1xf32> to vector<1000xf32>
    %add3A = arith.addf %squeeze3A, %squeeze3A_7 : vector<1000xf32>
    %add3A_8 = arith.constant 1.000000e+00 : f32
    %add3A_9 = vector.broadcast %add3A_8 : f32 to vector<1000xf32>
    %add3A_10 = arith.addf %add3A, %add3A_9 : vector<1000xf32>
    %rsqrt3A = math.rsqrt %add3A_10 : vector<1000xf32>
    %broadcast_in_dim3A = vector.shape_cast %rsqrt3A : vector<1000xf32> to vector<1000x1xf32>
    %mul3A = vector.broadcast %broadcast_in_dim3A : vector<1000x1xf32> to vector<1000x128xf32>
    %mul3A_11 = arith.mulf %get3A_1, %mul3A : vector<1000x128xf32>
    %swap3A = arith.constant 0 : index
    %swap3A_12 = arith.constant 0 : index
    %swap3A_13 = arith.constant 0 : index
    %swap3A_14 = vector.load %arg4[%swap3A, %swap3A_12, %swap3A_13] : memref<1x1000x128xf32, #tpu.memory_space<vmem>>, vector<1x1000x128xf32>
    %swap3A_15 = vector.shape_cast %swap3A_14 : vector<1x1000x128xf32> to vector<1000x128xf32>
    %swap3A_16 = vector.shape_cast %mul3A_11 : vector<1000x128xf32> to vector<1x1000x128xf32>
    tpu.vector_store %arg4[%swap3A, %swap3A_12, %swap3A_13], %swap3A_16 {strides = array<i32>} : memref<1x1000x128xf32, #tpu.memory_space<vmem>>, vector<1x1000x128xf32>,
    return
  }
  func.func @transform_0(%arg0: i32, %arg1: i32) -> (i32, i32) {
    %c0_i32 = arith.constant 0 : i32
    return %arg0, %arg1 : i32, i32
  }
  func.func @transform_1(%arg0: i32, %arg1: i32) -> (i32, i32, i32) {
    %c0_i32 = arith.constant 0 : i32
    %c0_i32_0 = arith.constant 0 : i32
    %c0_i32_1 = arith.constant 0 : i32
    return %c0_i32, %arg0, %c0_i32_0 : i32, i32, i32
  }
  func.func @transform_2(%arg0: i32, %arg1: i32) -> (i32, i32, i32) {
    %c0_i32 = arith.constant 0 : i32
    %c0_i32_0 = arith.constant 0 : i32
    return %arg1, %arg0, %c0_i32 : i32, i32, i32
  }
}

module attributes {stable_mosaic.version = 14 : i64} {
  func.func @_mid_kernel(%arg0: i32, %arg1: memref<2x1000x128xf32, #tpu.memory_space<vmem>>, %arg2: memref<2x1000x128xf32, #tpu.memory_space<vmem>>, %arg3: memref<2x1000x16xf32, #tpu.memory_space<vmem>>, %arg4: memref<1x256xf32, #tpu.memory_space<vmem>>, %arg5: memref<256x64xf32, #tpu.memory_space<vmem>>, %arg6: memref<1000x64xf32, #tpu.memory_space<vmem>>) attributes {dimension_semantics = [#tpu.dimension_semantics<arbitrary>], iteration_bounds = array<i64: 10>, scalar_prefetch = 0 : i64, scratch_operands = 0 : i64, tpu.core_type = #tpu.core_type<tc>, window_params = [{transform_indices = @transform_0, window_bounds = array<i64: 2, 1000, 128>}, {transform_indices = @transform_1, window_bounds = array<i64: 2, 1000, 128>}, {transform_indices = @transform_2, window_bounds = array<i64: 2, 1000, 16>}, {pipeline_mode = #tpu.pipeline_mode<synchronous>, transform_indices = @transform_3, window_bounds = array<i64: 1, 256>}, {pipeline_mode = #tpu.pipeline_mode<synchronous>, transform_indices = @transform_4, window_bounds = array<i64: 256, 64>}, {transform_indices = @transform_5, window_bounds = array<i64: 1000, 64>}]} {
    %get3A = arith.constant 0 : index
    %get3A_0 = arith.constant 0 : index
    %get3A_1 = arith.constant 0 : index
    %get3A_2 = vector.load %arg3[%get3A, %get3A_0, %get3A_1] : memref<2x1000x16xf32, #tpu.memory_space<vmem>>, vector<2x1000x16xf32>
    %slice3A = vector.extract_strided_slice %get3A_2 {offsets = [0, 0, 0], sizes = [1, 1000, 1], strides = [1, 1, 1]} : vector<2x1000x16xf32> to vector<1x1000x1xf32>
    %squeeze3A = vector.shape_cast %slice3A : vector<1x1000x1xf32> to vector<1000xf32>
    %slice3A_3 = vector.extract_strided_slice %get3A_2 {offsets = [1, 0, 0], sizes = [1, 1000, 1], strides = [1, 1, 1]} : vector<2x1000x16xf32> to vector<1x1000x1xf32>
    %squeeze3A_4 = vector.shape_cast %slice3A_3 : vector<1x1000x1xf32> to vector<1000xf32>
    %add3A = arith.addf %squeeze3A, %squeeze3A_4 : vector<1000xf32>
    %add3A_5 = arith.constant 1.000000e+00 : f32
    %add3A_6 = vector.broadcast %add3A_5 : f32 to vector<1000xf32>
    %add3A_7 = arith.addf %add3A, %add3A_6 : vector<1000xf32>
    %rsqrt3A = math.rsqrt %add3A_7 : vector<1000xf32>
    %broadcast_in_dim3A = vector.shape_cast %rsqrt3A : vector<1000xf32> to vector<1000x1xf32>
    %get3A_8 = arith.constant 0 : index
    %get3A_9 = arith.constant 0 : index
    %get3A_10 = arith.constant 0 : index
    %get3A_11 = vector.load %arg1[%get3A_8, %get3A_9, %get3A_10] : memref<2x1000x128xf32, #tpu.memory_space<vmem>>, vector<2x1000x128xf32>
    %get3A_12 = arith.constant 0 : index
    %get3A_13 = arith.constant 0 : index
    %get3A_14 = arith.constant 0 : index
    %get3A_15 = vector.load %arg2[%get3A_12, %get3A_13, %get3A_14] : memref<2x1000x128xf32, #tpu.memory_space<vmem>>, vector<2x1000x128xf32>
    %slice3A_16 = vector.extract_strided_slice %get3A_11 {offsets = [0, 0, 0], sizes = [1, 1000, 128], strides = [1, 1, 1]} : vector<2x1000x128xf32> to vector<1x1000x128xf32>
    %squeeze3A_17 = vector.shape_cast %slice3A_16 : vector<1x1000x128xf32> to vector<1000x128xf32>
    %slice3A_18 = vector.extract_strided_slice %get3A_15 {offsets = [0, 0, 0], sizes = [1, 1000, 128], strides = [1, 1, 1]} : vector<2x1000x128xf32> to vector<1x1000x128xf32>
    %squeeze3A_19 = vector.shape_cast %slice3A_18 : vector<1x1000x128xf32> to vector<1000x128xf32>
    %add3A_20 = arith.addf %squeeze3A_17, %squeeze3A_19 : vector<1000x128xf32>
    %slice3A_21 = vector.extract_strided_slice %get3A_11 {offsets = [1, 0, 0], sizes = [1, 1000, 128], strides = [1, 1, 1]} : vector<2x1000x128xf32> to vector<1x1000x128xf32>
    %squeeze3A_22 = vector.shape_cast %slice3A_21 : vector<1x1000x128xf32> to vector<1000x128xf32>
    %slice3A_23 = vector.extract_strided_slice %get3A_15 {offsets = [1, 0, 0], sizes = [1, 1000, 128], strides = [1, 1, 1]} : vector<2x1000x128xf32> to vector<1x1000x128xf32>
    %squeeze3A_24 = vector.shape_cast %slice3A_23 : vector<1x1000x128xf32> to vector<1000x128xf32>
    %add3A_25 = arith.addf %squeeze3A_22, %squeeze3A_24 : vector<1000x128xf32>
    %concatenate3A = tpu.concatenate %add3A_20, %add3A_25 in 1 : vector<1000x128xf32>, vector<1000x128xf32> -> vector<1000x256xf32>
    %mul3A = vector.broadcast %broadcast_in_dim3A : vector<1000x1xf32> to vector<1000x256xf32>
    %mul3A_26 = arith.mulf %concatenate3A, %mul3A : vector<1000x256xf32>
    %get3A_27 = arith.constant 0 : index
    %get3A_28 = arith.constant 0 : index
    %get3A_29 = vector.load %arg4[%get3A_27, %get3A_28] : memref<1x256xf32, #tpu.memory_space<vmem>>, vector<1x256xf32>
    %add3A_30 = vector.broadcast %get3A_29 : vector<1x256xf32> to vector<1000x256xf32>
    %add3A_31 = arith.addf %mul3A_26, %add3A_30 : vector<1000x256xf32>
    %max3A = arith.constant 0.000000e+00 : f32
    %max3A_32 = vector.broadcast %max3A : f32 to vector<1000x256xf32>
    %max3A_33 = arith.maximumf %add3A_31, %max3A_32 : vector<1000x256xf32>
    %get3A_34 = arith.constant 0 : index
    %get3A_35 = arith.constant 0 : index
    %get3A_36 = vector.load %arg5[%get3A_34, %get3A_35] : memref<256x64xf32, #tpu.memory_space<vmem>>, vector<256x64xf32>
    %dot_general3A = arith.constant dense<0.000000e+00> : vector<1000x64xf32>
    %dot_general3A_37 = tpu.matmul %max3A_33, %get3A_36, %dot_general3A {dimension_numbers = #tpu.dot_dimension_numbers<[1], [0], [0], [1], [0, 0, 1, 1], [], []>, transpose_lhs_hint = false} : vector<1000x256xf32>, vector<256x64xf32>, vector<1000x64xf32> -> vector<1000x64xf32>
    %mul3A_38 = vector.broadcast %broadcast_in_dim3A : vector<1000x1xf32> to vector<1000x64xf32>
    %mul3A_39 = arith.mulf %dot_general3A_37, %mul3A_38 : vector<1000x64xf32>
    %swap3A = arith.constant 0 : index
    %swap3A_40 = arith.constant 0 : index
    %swap3A_41 = vector.load %arg6[%swap3A, %swap3A_40] : memref<1000x64xf32, #tpu.memory_space<vmem>>, vector<1000x64xf32>
    tpu.vector_store %arg6[%swap3A, %swap3A_40], %mul3A_39 {strides = array<i32>} : memref<1000x64xf32, #tpu.memory_space<vmem>>, vector<1000x64xf32>,
    return
  }
  func.func @transform_0(%arg0: i32) -> (i32, i32, i32) {
    %c0_i32 = arith.constant 0 : i32
    %c0_i32_0 = arith.constant 0 : i32
    %c0_i32_1 = arith.constant 0 : i32
    return %c0_i32, %arg0, %c0_i32_0 : i32, i32, i32
  }
  func.func @transform_1(%arg0: i32) -> (i32, i32, i32) {
    %c0_i32 = arith.constant 0 : i32
    %c0_i32_0 = arith.constant 0 : i32
    %c0_i32_1 = arith.constant 0 : i32
    return %c0_i32, %arg0, %c0_i32_0 : i32, i32, i32
  }
  func.func @transform_2(%arg0: i32) -> (i32, i32, i32) {
    %c0_i32 = arith.constant 0 : i32
    %c0_i32_0 = arith.constant 0 : i32
    %c0_i32_1 = arith.constant 0 : i32
    return %c0_i32, %arg0, %c0_i32_0 : i32, i32, i32
  }
  func.func @transform_3(%arg0: i32) -> (i32, i32) {
    %c0_i32 = arith.constant 0 : i32
    %c0_i32_0 = arith.constant 0 : i32
    %c0_i32_1 = arith.constant 0 : i32
    return %c0_i32, %c0_i32_0 : i32, i32
  }
  func.func @transform_4(%arg0: i32) -> (i32, i32) {
    %c0_i32 = arith.constant 0 : i32
    %c0_i32_0 = arith.constant 0 : i32
    %c0_i32_1 = arith.constant 0 : i32
    return %c0_i32, %c0_i32_0 : i32, i32
  }
  func.func @transform_5(%arg0: i32) -> (i32, i32) {
    %c0_i32 = arith.constant 0 : i32
    %c0_i32_0 = arith.constant 0 : i32
    return %arg0, %c0_i32 : i32, i32
  }
}

module attributes {stable_mosaic.version = 14 : i64} {
  func.func @_final_kernel(%arg0: i32, %arg1: memref<2x1000x128xf32, #tpu.memory_space<vmem>>, %arg2: memref<1000x64xf32, #tpu.memory_space<vmem>>, %arg3: memref<2x1000x16xf32, #tpu.memory_space<vmem>>, %arg4: memref<1x64xf32, #tpu.memory_space<vmem>>, %arg5: memref<1000x64xf32, #tpu.memory_space<vmem>>) attributes {dimension_semantics = [#tpu.dimension_semantics<arbitrary>], iteration_bounds = array<i64: 10>, scalar_prefetch = 0 : i64, scratch_operands = 0 : i64, tpu.core_type = #tpu.core_type<tc>, window_params = [{transform_indices = @transform_0, window_bounds = array<i64: 2, 1000, 128>}, {transform_indices = @transform_1, window_bounds = array<i64: 1000, 64>}, {transform_indices = @transform_2, window_bounds = array<i64: 2, 1000, 16>}, {pipeline_mode = #tpu.pipeline_mode<synchronous>, transform_indices = @transform_3, window_bounds = array<i64: 1, 64>}, {transform_indices = @transform_4, window_bounds = array<i64: 1000, 64>}]} {
    %get3A = arith.constant 0 : index
    %get3A_0 = arith.constant 0 : index
    %get3A_1 = arith.constant 0 : index
    %get3A_2 = vector.load %arg3[%get3A, %get3A_0, %get3A_1] : memref<2x1000x16xf32, #tpu.memory_space<vmem>>, vector<2x1000x16xf32>
    %slice3A = vector.extract_strided_slice %get3A_2 {offsets = [0, 0, 0], sizes = [1, 1000, 1], strides = [1, 1, 1]} : vector<2x1000x16xf32> to vector<1x1000x1xf32>
    %squeeze3A = vector.shape_cast %slice3A : vector<1x1000x1xf32> to vector<1000xf32>
    %slice3A_3 = vector.extract_strided_slice %get3A_2 {offsets = [1, 0, 0], sizes = [1, 1000, 1], strides = [1, 1, 1]} : vector<2x1000x16xf32> to vector<1x1000x1xf32>
    %squeeze3A_4 = vector.shape_cast %slice3A_3 : vector<1x1000x1xf32> to vector<1000xf32>
    %add3A = arith.addf %squeeze3A, %squeeze3A_4 : vector<1000xf32>
    %add3A_5 = arith.constant 1.000000e+00 : f32
    %add3A_6 = vector.broadcast %add3A_5 : f32 to vector<1000xf32>
    %add3A_7 = arith.addf %add3A, %add3A_6 : vector<1000xf32>
    %rsqrt3A = math.rsqrt %add3A_7 : vector<1000xf32>
    %broadcast_in_dim3A = vector.shape_cast %rsqrt3A : vector<1000xf32> to vector<1000x1xf32>
    %get3A_8 = arith.constant 0 : index
    %get3A_9 = arith.constant 0 : index
    %get3A_10 = arith.constant 0 : index
    %get3A_11 = vector.load %arg1[%get3A_8, %get3A_9, %get3A_10] : memref<2x1000x128xf32, #tpu.memory_space<vmem>>, vector<2x1000x128xf32>
    %slice3A_12 = vector.extract_strided_slice %get3A_11 {offsets = [0, 0, 0], sizes = [1, 1000, 128], strides = [1, 1, 1]} : vector<2x1000x128xf32> to vector<1x1000x128xf32>
    %squeeze3A_13 = vector.shape_cast %slice3A_12 : vector<1x1000x128xf32> to vector<1000x128xf32>
    %slice3A_14 = vector.extract_strided_slice %get3A_11 {offsets = [1, 0, 0], sizes = [1, 1000, 128], strides = [1, 1, 1]} : vector<2x1000x128xf32> to vector<1x1000x128xf32>
    %squeeze3A_15 = vector.shape_cast %slice3A_14 : vector<1x1000x128xf32> to vector<1000x128xf32>
    %add3A_16 = arith.addf %squeeze3A_13, %squeeze3A_15 : vector<1000x128xf32>
    %slice3A_17 = vector.extract_strided_slice %add3A_16 {offsets = [0, 0], sizes = [1000, 64], strides = [1, 1]} : vector<1000x128xf32> to vector<1000x64xf32>
    %get3A_18 = arith.constant 0 : index
    %get3A_19 = arith.constant 0 : index
    %get3A_20 = vector.load %arg2[%get3A_18, %get3A_19] : memref<1000x64xf32, #tpu.memory_space<vmem>>, vector<1000x64xf32>
    %add3A_21 = arith.addf %slice3A_17, %get3A_20 : vector<1000x64xf32>
    %mul3A = vector.broadcast %broadcast_in_dim3A : vector<1000x1xf32> to vector<1000x64xf32>
    %mul3A_22 = arith.mulf %add3A_21, %mul3A : vector<1000x64xf32>
    %get3A_23 = arith.constant 0 : index
    %get3A_24 = arith.constant 0 : index
    %get3A_25 = vector.load %arg4[%get3A_23, %get3A_24] : memref<1x64xf32, #tpu.memory_space<vmem>>, vector<1x64xf32>
    %add3A_26 = vector.broadcast %get3A_25 : vector<1x64xf32> to vector<1000x64xf32>
    %add3A_27 = arith.addf %mul3A_22, %add3A_26 : vector<1000x64xf32>
    %reduce_max3A = arith.constant dense<0xFF800000> : vector<1000xf32>
    %reduce_max3A_28 = vector.multi_reduction <maximumf>, %add3A_27, %reduce_max3A [1] : vector<1000x64xf32> to vector<1000xf32>
    %broadcast_in_dim3A_29 = vector.shape_cast %reduce_max3A_28 : vector<1000xf32> to vector<1000x1xf32>
    %sub3A = vector.broadcast %broadcast_in_dim3A_29 : vector<1000x1xf32> to vector<1000x64xf32>
    %sub3A_30 = arith.subf %add3A_27, %sub3A : vector<1000x64xf32>
    %exp3A = math.exp %sub3A_30 : vector<1000x64xf32>
    %reduce_sum3A = arith.constant dense<0.000000e+00> : vector<1000xf32>
    %reduce_sum3A_31 = vector.multi_reduction <add>, %exp3A, %reduce_sum3A [1] : vector<1000x64xf32> to vector<1000xf32>
    %broadcast_in_dim3A_32 = vector.shape_cast %reduce_sum3A_31 : vector<1000xf32> to vector<1000x1xf32>
    %log3A = math.log %broadcast_in_dim3A_32 : vector<1000x1xf32>
    %sub3A_33 = vector.broadcast %log3A : vector<1000x1xf32> to vector<1000x64xf32>
    %sub3A_34 = arith.subf %sub3A_30, %sub3A_33 : vector<1000x64xf32>
    %swap3A = arith.constant 0 : index
    %swap3A_35 = arith.constant 0 : index
    %swap3A_36 = vector.load %arg5[%swap3A, %swap3A_35] : memref<1000x64xf32, #tpu.memory_space<vmem>>, vector<1000x64xf32>
    tpu.vector_store %arg5[%swap3A, %swap3A_35], %sub3A_34 {strides = array<i32>} : memref<1000x64xf32, #tpu.memory_space<vmem>>, vector<1000x64xf32>,
    return
  }
  func.func @transform_0(%arg0: i32) -> (i32, i32, i32) {
    %c0_i32 = arith.constant 0 : i32
    %c0_i32_0 = arith.constant 0 : i32
    %c0_i32_1 = arith.constant 0 : i32
    return %c0_i32, %arg0, %c0_i32_0 : i32, i32, i32
  }
  func.func @transform_1(%arg0: i32) -> (i32, i32) {
    %c0_i32 = arith.constant 0 : i32
    %c0_i32_0 = arith.constant 0 : i32
    return %arg0, %c0_i32 : i32, i32
  }
  func.func @transform_2(%arg0: i32) -> (i32, i32, i32) {
    %c0_i32 = arith.constant 0 : i32
    %c0_i32_0 = arith.constant 0 : i32
    %c0_i32_1 = arith.constant 0 : i32
    return %c0_i32, %arg0, %c0_i32_0 : i32, i32, i32
  }
  func.func @transform_3(%arg0: i32) -> (i32, i32) {
    %c0_i32 = arith.constant 0 : i32
    %c0_i32_0 = arith.constant 0 : i32
    %c0_i32_1 = arith.constant 0 : i32
    return %c0_i32, %c0_i32_0 : i32, i32
  }
  func.func @transform_4(%arg0: i32) -> (i32, i32) {
    %c0_i32 = arith.constant 0 : i32
    %c0_i32_0 = arith.constant 0 : i32
    return %arg0, %c0_i32 : i32, i32
  }
}

</mosaic_0001>

<sc_bundles>
// kernel: kernel.12.cloned.1.call-start
scs
__scs_entry_jumppad:
0x0: {  	(pc) =	sbr.rel $0x88, $3  }
0x1: {  	(tag) =	ssettag $0x0;
	lr =	simm.s32 $0x1  }
0x2: {  	[smem:$0x3F9B] =	sst lr;
	_ =	strace $0xD0000000  }
0x3: {  	_ = 	snop  }
0x4: {  	_ = 	snop  }
0x5: {  	_ = 	snop  }
0x6: {  	_ = 	snop  }
0x7: {  	_ = 	snop  }
__scs_overlays_trampoline_lowered:
0x8: {  	[smem:$0x3FAA] =	sst s0  }
0x9: {  	[smem:$0x3FAB] =	sst s1  }
0xa: {  	[smem:$0x3FAC] =	sst s2  }
0xb: {  	[smem:$0x3FAD] =	sst s3  }
0xc: {  	[smem:$0x3FAE] =	sst s4  }
0xd: {  	[smem:$0x3FAF] =	sst s5  }
0xe: {  	[smem:$0x3FB0] =	sst s6  }
0xf: {  	[smem:$0x3FB1] =	sst s7  }
0x10: {  	[smem:$0x3FB2] =	sst s8  }
0x11: {  	[smem:$0x3FB3] =	sst s9;
	s0 =	simm.s32 @!p0 $0x0  }
0x12: {  	s1 =	sld [smem:$0x3F99];
	s0 =	simm.s32 @p0 $0x1  }
0x13: {  	[smem:$0x3FB4] =	sst s0;
	s0 =	simm.s32 @!p1 $0x0  }
0x14: {  	s2 =	sld [smem:$0x3F98];
	s0 =	simm.s32 @p1 $0x1  }
0x15: {  	[smem:$0x3FB5] =	sst s0;
	s0 =	simm.s32 @!p2 $0x0  }
0x16: {  	s3 =	sld [smem:$0x3FDB];
	s0 =	simm.s32 @p2 $0x1  }
0x17: {  	s4 =	simm.s32 $0x1BF5;
	[smem:$0x3FB7] =	sst s0  }
0x18: {  	s0 =	sld [smem:$0x3F9A];
	_ =	swait.ge [sflag:s4], $0x0  }
0x19: {  	s7 =	sld [smem:$0x3F9B]  }
0x1a: {  	s8 =	sadd.s32 $0xFFFFE003, lr  }
0x1b: {  	s9 =	sadd.s32 $0xFFFFFEF7, lr;
	s5 =	simm.s32 $0xFFFFFFFF;
	p2 =	slt.u32 s8, $0xFFFFF086  }
0x1c: {  	p1 =	slt.u32 s9, $0xF7A;
	s5 =	simm.s32 @!p2 $0x0  }
0x1d: {  	s5 =	simm.s32 @p1 $0x1;
	p0 =	seq.s32 s7, s2  }
0x1e: {  	s7 =	smul.u32 @!p0 $0xF7A, s2;
	p2 =	seq.s32 @!p0 s5, $0x0  }
0x1f: {  	s9 =	smul.u32 $0xF7A, s1;
	s8 =	simm.s32 @!p0 $0x1BF5;
	p2 =	por !p2, p0  }
0x20: {  	[sflag:s8] =	ssyncset.s32 @!p0 $0xFFFFF086;
	s6 =	sadd.s32 @!p0 s3, s7;
	s7 =	simm.s32 @!p0 $0x108  }
0x21: {  	s3 =	sadd.s32 s3, s9;
	s6 =	sadd.s32 @!p0 $0x88, s6;
	s7 =	simm.s32 @p2 $0x1082  }
0x22: {  	[simem:s7], [sflag:s8] =	dma.local @!p0 [hbm:s6], $0xF7A  }
0x23: {  	s9 =	sor.u32 $0xD0000000, s2;
	s6 =	simm.s32 $0x108;
	_ =	swait.ge @!p0 [sflag:s8], $0x0  }
0x24: {  	s3 =	sadd.s32 $0x88, s3;
	s6 =	simm.s32 @!p1 $0x1082;
	[sflag:s4] =	ssyncset.s32 $0xFFFFF086  }
0x25: {  	[simem:s6], [sflag:s4] =	dma.local [hbm:s3], $0xF7A  }
0x26: {  	[smem:$0x3F9B] =	sst s1;
	(tag) =	ssettag s2;
	_ =	strace s9  }
0x27: {  	s1 =	sld [smem:$0x3FAB]  }
0x28: {  	s2 =	sld [smem:$0x3FAC]  }
0x29: {  	s4 =	sld [smem:$0x3FAE]  }
0x2a: {  	p0 =	seq.s32 s5, $0x0;
	s5 =	sld [smem:$0x3FAF]  }
0x2b: {  	s6 =	sld [smem:$0x3FB0]  }
0x2c: {  	s7 =	sld [smem:$0x3FB1]  }
0x2d: {  	s3 =	simm.s32 $0x108;
	s8 =	sld [smem:$0x3FB2]  }
0x2e: {  	s3 =	simm.s32 @!p0 $0x1082;
	s9 =	sld [smem:$0x3FB3]  }
0x2f: {  	lr =	sadd.s32 s0, s3;
	s0 =	sld [smem:$0x3FAA]  }
0x30: {  	s3 =	sld [smem:$0x3FAD]  }
0x31: {  	[smem:$0x3FB6] =	sst s10  }
0x32: {  	s10 =	sld [smem:$0x3FB4];
	_ =	sdelay $0x3  }
0x33: {  	p0 =	seq.s32 s10, $0x1;
	s10 =	sld [smem:$0x3FB6];
	_ =	sdelay $0x3  }
0x34: {  	[smem:$0x3FB6] =	sst s10  }
0x35: {  	s10 =	sld [smem:$0x3FB5];
	_ =	sdelay $0x3  }
0x36: {  	p1 =	seq.s32 s10, $0x1;
	s10 =	sld [smem:$0x3FB6];
	_ =	sdelay $0x3  }
0x37: {  	[smem:$0x3FB6] =	sst s10  }
0x38: {  	s10 =	sld [smem:$0x3FB7]  }
0x39: {  	_ = 	snop;
	(pc) =	sbr.ind lr, $3  }
0x3a: {  	_ = 	snop  }
0x3b: {  	_ = 	snop  }
0x3c: {  	p2 =	seq.s32 s10, $0x1;
	s10 =	sld [smem:$0x3FB6]  }
0x3d: {  	_ =	shalt  }
0x3e: {  	_ =	shalt  }
0x3f: {  	_ =	shalt  }
0x40: {  	_ =	shalt  }
0x41: {  	_ =	shalt  }
0x42: {  	_ =	shalt  }
0x43: {  	_ =	shalt  }
0x44: {  	_ =	shalt  }
0x45: {  	_ =	shalt  }
0x46: {  	_ =	shalt  }
0x47: {  	_ =	shalt  }
0x48: {  	_ =	shalt  }
0x49: {  	_ =	shalt  }
0x4a: {  	_ =	shalt  }
0x4b: {  	_ =	shalt  }
0x4c: {  	_ =	shalt  }
0x4d: {  	_ =	shalt  }
0x4e: {  	_ =	shalt  }
0x4f: {  	_ =	shalt  }
0x50: {  	_ =	shalt  }
0x51: {  	_ =	shalt  }
0x52: {  	_ =	shalt  }
0x53: {  	_ =	shalt  }
0x54: {  	_ =	shalt  }
0x55: {  	_ =	shalt  }
0x56: {  	_ =	shalt  }
0x57: {  	_ =	shalt  }
0x58: {  	_ =	shalt  }
0x59: {  	_ =	shalt  }
0x5a: {  	_ =	shalt  }
0x5b: {  	_ =	shalt  }
0x5c: {  	_ =	shalt  }
0x5d: {  	_ =	shalt  }
0x5e: {  	_ =	shalt  }
0x5f: {  	_ =	shalt  }
0x60: {  	_ =	shalt  }
0x61: {  	_ =	shalt  }
0x62: {  	_ =	shalt  }
0x63: {  	_ =	shalt  }
0x64: {  	_ =	shalt  }
0x65: {  	_ =	shalt  }
0x66: {  	_ =	shalt  }
0x67: {  	_ =	shalt  }
0x68: {  	_ =	shalt  }
0x69: {  	_ =	shalt  }
0x6a: {  	_ =	shalt  }
0x6b: {  	_ =	shalt  }
0x6c: {  	_ =	shalt  }
0x6d: {  	_ =	shalt  }
0x6e: {  	_ =	shalt  }
0x6f: {  	_ =	shalt  }
0x70: {  	_ =	shalt  }
0x71: {  	_ =	shalt  }
0x72: {  	_ =	shalt  }
0x73: {  	_ =	shalt  }
0x74: {  	_ =	shalt  }
0x75: {  	_ =	shalt  }
0x76: {  	_ =	shalt  }
0x77: {  	_ =	shalt  }
0x78: {  	_ =	shalt  }
0x79: {  	_ =	shalt  }
0x7a: {  	_ =	shalt  }
0x7b: {  	_ =	shalt  }
0x7c: {  	_ =	shalt  }
0x7d: {  	_ =	shalt  }
0x7e: {  	_ =	shalt  }
0x7f: {  	_ =	shalt  }
0x80: {  	_ =	shalt  }
0x81: {  	_ =	shalt  }
0x82: {  	_ =	shalt  }
0x83: {  	_ =	shalt  }
0x84: {  	_ =	shalt  }
0x85: {  	_ =	shalt  }
0x86: {  	_ =	shalt  }
0x87: {  	_ =	shalt  }
.Lfunc_end0:
.L_simem_size_0:
called_computation.1_lowered:
.L_overlay_start_0:
0x88: {  	s2 =	sld [smem:$0x3FD9]  }
0x89: {  	s3 =	sld [smem:$0x3FFE];
	_ =	sdelay $0x1  }
0x8a: {  	s1 =	srdreg.scid  }
0x8b: {  	s0 =	sand.u32 $0x1, s1  }
0x8c: {  	s17 =	sshll.u32 s0, $0xA;
	s2 =	sadd.s32 s3, s2  }
0x8d: {  	s2 =	sadd.s32 s2, s17  }
0x8e: {  	[smem:$0x3FC2] =	sst s2  }
0x8f: {  	_ = 	snop  }
0x90: {  	s2 =	sld [smem:$0x3FD0];
	(tm) =	ssettm $0x1  }
0x91: {  	s18 =	sld [smem:$0x3FFB];
	_ =	sdelay $0x3  }
0x92: {  	_ =	strace s18  }
0x93: {  	s3 =	sld [smem:$0x3FFC];
	_ =	sdelay $0x3  }
0x94: {  	_ =	strace s3  }
0x95: {  	s3 =	sld [smem:$0x3FFD];
	_ =	sdelay $0x3  }
0x96: {  	_ =	strace s3  }
0x97: {  	_ =	strace $0x8FFFFFFF  }
0x98: {  	s19 =	sld [smem:$0x3FDB];
	_ =	sdelay $0x1  }
0x99: {  	s4 =	simm.s32 $_scs_section_size  }
0x9a: {  	s5 =	simm.s32 $_size__tile_overlayer_lowered;
	s6 =	simm.s32 $_tile_overlayer_lowered  }
0x9b: {  	s22 =	simm.s32 $0x1BFF;
	s21 =	sshll.u32 s6, $0x1;
	s3 =	sadd.s32 s4, s19  }
0x9c: {  	s7 =	simm.s32 $0x0;
	s20 =	sshll.u32 s5, $0x1;
	s5 =	sadd.s32 s21, s3  }
0x9d: {  	[timem:s7], [sflag:s22] =	dma.local [hbm:s5], s20  }
0x9e: {  	_ =	swait.ge [sflag:s22], s20  }
0x9f: {  	s4 =	ssub.s32 $0x0, s20;
	[sflag:s22] =	ssyncset.done $0x0  }
0xa0: {  	[sflag:s22] =	ssyncadd.s32 s4;
	_ =	sdelay $0x1  }
0xa1: {  	s23 =	simm.s32 $0x1B8B  }
0xa2: {  	_ =	swait.ge [sflag:s23], $0x1  }
0xa3: {  	[sflag:s23] =	ssyncset.done $0x0  }
0xa4: {  	s25 =	simm.s32 $0x1B8E;
	s24 =	sld [smem:$0x3FFE];
	[sflag:s23] =	ssyncadd.s32 $0xFFFFFFFF  }
0xa5: {  	s26 =	simm.s32 $execute0_lowered;
	[smem:$0x3FD2] =	sst s25  }
0xa6: {  	s5 =	sshll.u32 s26, $0x1;
	_ =	strace $0x80000049;
	[dreg:$0x1] =	wrdreg $0xFFFFFFFF  }
0xa7: {  	s28 =	simm.s32 $_size_execute0_lowered;
	s3 =	sadd.s32 s3, s5;
	[dreg:$0x0] =	wrdreg $0x0  }
0xa8: {  	s5 =	sshll.u32 s28, $0x1;
	[dreg:$0x2] =	wrdreg s3  }
0xa9: {  	[dreg:$0x3] =	wrdreg s5  }
0xaa: {  	[dreg:$0x4] =	wrdreg $0xC0  }
0xab: {  	_ =	task [dreg:s7], $0x5FFFF  }
0xac: {  	[dreg:$0x1] =	wrdreg $0xFFFFFFFF  }
0xad: {  	[dreg:$0x0] =	wrdreg $0x60  }
0xae: {  	[dreg:$0x2] =	wrdreg s24  }
0xaf: {  	[dreg:$0x3] =	wrdreg s2  }
0xb0: {  	[dreg:$0x4] =	wrdreg $0x68000  }
0xb1: {  	[dreg:$0x5] =	wrdreg $0x9  }
0xb2: {  	_ =	task.clear_ibuf [dreg:s7], $0x6FFFF;
	_ =	strace $0x90000049  }
0xb3: {  	s29 =	simm.s32 $0x9;
	_ =	strace $0x8000004B  }
0xb4: {  	_ =	swait.ge [sflag:s29], $0x1  }
0xb5: {  	[sflag:s29] =	ssyncadd.s32 $0xFFFFFFFF  }
0xb6: {  	_ =	strace $0x9000004B  }
0xb7: {  	_ =	sfence  }
0xb8: {  	s30 =	sld [smem:$0x0];
	_ =	sdelay $0x2  }
0xb9: {  	s31 =	sshll.u32 s1, $0xD;
	s1 =	sshrl.u32 s1, $0x2  }
0xba: {  	s3 =	sand.u32 $0x4000, s31;
	s1 =	sadd.s32 s1, s30  }
0xbb: {  	s0 =	sor.u32 s3, s0;
	s1 =	sshll.u32 s1, $0x11  }
0xbc: {  	s0 =	sor.u32 s1, s0  }
0xbd: {  	s0 =	sadd.s32 $0x8F2B, s0  }
0xbe: {  	[sflag:s0] =	ssyncadd.remote.s32 $0x1  }
0xbf: {  	_ =	sfence.sel $0xFFFF  }
0xc0: {  	[dreg:$0x0] =	wrdreg $0xFFFFFFFF;
	(pc) =	sbr.abs _section_cstart, $3  }
0xc1: {  	[dreg:$0x1] =	wrdreg $0xFFFFFFFF  }
0xc2: {  	_ =	task.clear_ibuf [dreg:s7], $0x2FFFF;
	_ =	strace $0x9FFFFFFF  }
0xc3: {  	(tm) =	ssettm $0x7FFFFFFF  }
tec
execute0_lowered:
.L_overlay_start_1:
0x0: {  	(tag) =	ssettag $0x1  }
0x1: {  	s5 =	rddreg [dreg:$0x0]  }
0x2: {  	s9 =	rddreg [dreg:$0x1]  }
0x3: {  	s2 =	rddreg [dreg:$0x2]  }
0x4: {  	s0 =	rddreg [dreg:$0x3]  }
0x5: {  	s1 =	stileid.u32;
	s4 =	srdreg.scid;
	s3 =	simm.s32 $0x0  }
0x6: {  	s17 =	simm.s32 $0x2800;
	s18 =	simm.s32 $0x0;
	s6 =	smul.u32 $0x13C00, s1  }
0x7: {  	s7 =	sand.u32 $0x1, s4;
	[smem:$0x7FF] =	sst s3;
	s23 =	smul.u32 $0x4F000, s1  }
0x8: {  	s4 =	sadd.s32 $0x7E600, s5;
	s10 =	sadd.s32 $0x2E00, s5;
	s13 =	smul.u32 $0x2800, s1  }
0x9: {  	s26 =	sshll.u32 s1, $0x6;
	s8 =	smul.u32 $0x13C000, s7;
	_ =	strace $0x8000004A  }
0xa: {  	s24 =	ssub.s32 $0x2, s7;
	s7 =	smul.u32 $0x28000, s7;
	s11 =	sshrl.u32 s6, $0x3  }
0xb: {  	s25 =	sshrl.u32 s24, $0x1;
	s29 =	sadd.s32 $0x1400, s13;
	s30 =	sshrl.u32 s13, $0x3  }
0xc: {  	s6 =	sadd.s32 s6, s8;
	s22 =	sadd.s32 s11, s5;
	s11 =	sshrl.u32 s23, $0x2  }
0xd: {  	s14 =	ssub.s32 s24, s25;
	s28 =	sadd.s32 s13, s7;
	s16 =	sadd.s32 s7, s29  }
0xe: {  	s6 =	sshrl.u32 s6, $0x3;
	s15 =	sadd.s32 s11, s2;
	s8 =	sshrl.u32 s28, $0x3  }
0xf: {  	s31 =	sshrl.u32 s16, $0x3;
	s11 =	sshrl.u32 s29, $0x3;
	s16 =	simm.s32 $0x80  }
0x10: {  	s12 =	sadd.s32 s6, s5;
	s5 =	sadd.s32 $0x7E00, s22;
	s6 =	sor.u32 $0x1C01, s26  }
0x11: {  	s7 =	sadd.s32 s9, s8;
	s8 =	sadd.s32 s10, s30;
	s9 =	sadd.s32 s9, s31  }
0x12: {  	s10 =	sadd.s32 s10, s11;
	s13 =	sshrl.u32 s15, $0x3;
	s15 =	simm.s32 $0x1400  }
0x13: {  	s11 =	sadd.s32 $0xCC800, s12;
	s12 =	smax.u32 s14, $0x1;
	s14 =	simm.s32 $0x1  }
.LBB2_1:
0x14: {  	[spmem:s13], [sflag:s6] =	dma.local [hbm:s5], $0x2780  }
0x15: {  	_ =	swait.ge [sflag:s14], $0x2780  }
0x16: {  	[sflag:s14] =	ssyncset.done $0x0  }
0x17: {  	[sflag:s14] =	ssyncadd.s32 $0xFFFFD880  }
0x18: {  	[bflag:$0x0] =	sbarrier.arrive $0xFFFF  }
0x19: {  	[tilespmem:s3], [sflag:$0x1] =	stream.linear.gather [hbm4b:s7+s3], $0x1400, $0x38;
	[tilespmem:$0x1A400] =	vst v63  }
0x1a: {  	_ =	swait.ge [sflag:s14], $0x1400  }
0x1b: {  	[sflag:s14] =	ssyncset.done $0x0  }
0x1c: {  	[sflag:s14] =	ssyncadd.s32 $0xFFFFEC00  }
0x1d: {  	[tilespmem:s15], [sflag:$0x1] =	stream.linear.gather [hbm4b:s8+s3], $0x1400, $0x38;
	[tilespmem:$0x1A400] =	vst v63  }
0x1e: {  	_ =	swait.ge [sflag:s14], $0x1400  }
0x1f: {  	[sflag:s14] =	ssyncset.done $0x0  }
0x20: {  	s19 =	simm.s32 $0x0;
	[sflag:s14] =	ssyncadd.s32 $0xFFFFEC00  }
0x21: {  	[tilespmem:s17], [sflag:$0x1] =	stream.indirect.gather [hbm4b:s4+s16], $0x80, s19, s16, $0xb8;
	[tilespmem:$0x1A400] =	vst v63  }
0x22: {  	_ =	swait.ge [sflag:s14], $0x4000  }
0x23: {  	[sflag:s14] =	ssyncset.done $0x0  }
0x24: {  	s31 =	simm.s32 $0x1400;
	[sflag:s14] =	ssyncadd.s32 $0xFFFFC000  }
0x25: {  	[spmem:s2] =	stream.indirect.scatter.add.f32 [tilespmem:s17], [sflag:$0x1], $0x80, s31, s16, $0xb8;
	[tilespmem:$0x1A400] =	vst v63  }
0x26: {  	_ =	swait.ge [sflag:s14], $0x4000  }
0x27: {  	s20 =	simm.s32 $0x400;
	s19 =	simm.s32 $0x200;
	[sflag:s14] =	ssyncset.done $0x0  }
.LBB2_2:
0x28: {  	s21 =	sshra.s32 s19, $0x2  }
0x29: {  	[sflag:s14] =	ssyncadd.s32 $0xFFFFC000;
	s19 =	smov.u32 s20;
	s22 =	sadd.s32 $0x200, s20  }
0x2a: {  	[tilespmem:s17], [sflag:$0x1] =	stream.indirect.gather [hbm4b:s4+s16], $0x80, s21, s16, $0xb8;
	[tilespmem:$0x1A400] =	vst v63  }
0x2b: {  	p0 =	sne.s32 s20, $0x4E00;
	_ =	swait.ge [sflag:s14], $0x4000  }
.Ltmp0:
0x2c: {  	[sflag:s14] =	ssyncset.done $0x0;
	(pc) =	sbr.rel @p0 .LBB2_2-.Ltmp0, $4  }
0x2d: {  	s20 =	sadd.s32 $0x1400, s21;
	[sflag:s14] =	ssyncadd.s32 $0xFFFFC000  }
0x2e: {  	[spmem:s2] =	stream.indirect.scatter.add.f32 [tilespmem:s17], [sflag:$0x1], $0x80, s20, s16, $0xb8;
	[tilespmem:$0x1A400] =	vst v63  }
0x2f: {  	_ =	swait.ge [sflag:s14], $0x4000  }
0x30: {  	s20 =	smov.u32 s22;
	[sflag:s14] =	ssyncset.done $0x0  }
0x31: {  	s19 =	sshra.s32 s19, $0x2;
	[sflag:s14] =	ssyncadd.s32 $0xFFFFC000  }
0x32: {  	[tilespmem:s17], [sflag:$0x1] =	stream.indirect.gather [hbm4b:s4+s16], $0x80, s19, s16, $0xb8;
	[tilespmem:$0x1A400] =	vst v63  }
0x33: {  	_ =	swait.ge [sflag:s14], $0x4000  }
0x34: {  	[sflag:s14] =	ssyncset.done $0x0  }
0x35: {  	s19 =	sadd.s32 $0x1400, s19;
	[sflag:s14] =	ssyncadd.s32 $0xFFFFC000  }
0x36: {  	[spmem:s2] =	stream.indirect.scatter.add.f32 [tilespmem:s17], [sflag:$0x1], $0x80, s19, s16, $0xb8;
	[tilespmem:$0x1A400] =	vst v63  }
0x37: {  	_ =	swait.ge [sflag:s14], $0x4000  }
0x38: {  	[sflag:s14] =	ssyncset.done $0x0  }
0x39: {  	s29 =	simm.s32 $0x0;
	[sflag:s14] =	ssyncadd.s32 $0xFFFFC000  }
0x3a: {  	[tilespmem:s29], [sflag:$0x1] =	stream.linear.gather [hbm4b:s9+s29], $0x1400, $0x38;
	[tilespmem:$0x1A400] =	vst v63  }
0x3b: {  	_ =	swait.ge [sflag:s14], $0x1400  }
0x3c: {  	[sflag:s14] =	ssyncset.done $0x0  }
0x3d: {  	[sflag:s14] =	ssyncadd.s32 $0xFFFFEC00  }
0x3e: {  	[tilespmem:s15], [sflag:$0x1] =	stream.linear.gather [hbm4b:s10+s29], $0x1400, $0x38;
	[tilespmem:$0x1A400] =	vst v63  }
0x3f: {  	_ =	swait.ge [sflag:s14], $0x1400  }
0x40: {  	[sflag:s14] =	ssyncset.done $0x0  }
0x41: {  	s30 =	simm.s32 $0x0;
	[sflag:s14] =	ssyncadd.s32 $0xFFFFEC00  }
0x42: {  	[tilespmem:s17], [sflag:$0x1] =	stream.indirect.gather [hbm4b:s4+s16], $0x80, s30, s16, $0xb8;
	[tilespmem:$0x1A400] =	vst v63  }
0x43: {  	_ =	swait.ge [sflag:s14], $0x4000  }
0x44: {  	[sflag:s14] =	ssyncset.done $0x0  }
0x45: {  	s31 =	simm.s32 $0x1400;
	[sflag:s14] =	ssyncadd.s32 $0xFFFFC000  }
0x46: {  	[spmem:s2] =	stream.indirect.scatter.add.f32 [tilespmem:s17], [sflag:$0x1], $0x80, s31, s16, $0xb8;
	[tilespmem:$0x1A400] =	vst v63  }
0x47: {  	_ =	swait.ge [sflag:s14], $0x4000  }
0x48: {  	s20 =	simm.s32 $0x400;
	s19 =	simm.s32 $0x200;
	[sflag:s14] =	ssyncset.done $0x0  }
.LBB2_4:
0x49: {  	s21 =	sshra.s32 s19, $0x2  }
0x4a: {  	[sflag:s14] =	ssyncadd.s32 $0xFFFFC000;
	s19 =	smov.u32 s20;
	s22 =	sadd.s32 $0x200, s20  }
0x4b: {  	[tilespmem:s17], [sflag:$0x1] =	stream.indirect.gather [hbm4b:s4+s16], $0x80, s21, s16, $0xb8;
	[tilespmem:$0x1A400] =	vst v63  }
0x4c: {  	p0 =	sne.s32 s20, $0x4E00;
	_ =	swait.ge [sflag:s14], $0x4000  }
.Ltmp1:
0x4d: {  	[sflag:s14] =	ssyncset.done $0x0;
	(pc) =	sbr.rel @p0 .LBB2_4-.Ltmp1, $4  }
0x4e: {  	s20 =	sadd.s32 $0x1400, s21;
	[sflag:s14] =	ssyncadd.s32 $0xFFFFC000  }
0x4f: {  	[spmem:s2] =	stream.indirect.scatter.add.f32 [tilespmem:s17], [sflag:$0x1], $0x80, s20, s16, $0xb8;
	[tilespmem:$0x1A400] =	vst v63  }
0x50: {  	_ =	swait.ge [sflag:s14], $0x4000  }
0x51: {  	s20 =	smov.u32 s22;
	[sflag:s14] =	ssyncset.done $0x0  }
0x52: {  	s19 =	sshra.s32 s19, $0x2;
	[sflag:s14] =	ssyncadd.s32 $0xFFFFC000  }
0x53: {  	[tilespmem:s17], [sflag:$0x1] =	stream.indirect.gather [hbm4b:s4+s16], $0x80, s19, s16, $0xb8;
	[tilespmem:$0x1A400] =	vst v63  }
0x54: {  	_ =	swait.ge [sflag:s14], $0x4000  }
0x55: {  	[sflag:s14] =	ssyncset.done $0x0  }
0x56: {  	s19 =	sadd.s32 $0x1400, s19;
	[sflag:s14] =	ssyncadd.s32 $0xFFFFC000  }
0x57: {  	[spmem:s2] =	stream.indirect.scatter.add.f32 [tilespmem:s17], [sflag:$0x1], $0x80, s19, s16, $0xb8;
	[tilespmem:$0x1A400] =	vst v63  }
0x58: {  	_ =	swait.ge [sflag:s14], $0x4000  }
0x59: {  	s18 =	sadd.s32 $0x1, s18;
	[sflag:s14] =	ssyncset.done $0x0  }
0x5a: {  	p0 =	sne.s32 s18, s12;
	[sflag:s14] =	ssyncadd.s32 $0xFFFFC000  }
.Ltmp2:
0x5b: {  	[bflag:$0x0] =	sbarrier.arrive $0xFFFF;
	(pc) =	sbr.rel @p0 .LBB2_1-.Ltmp2, $4  }
0x5c: {  	[hbm:s11], [sflag:s6] =	dma.local [spmem:s13], $0x2780  }
0x5d: {  	_ =	swait.ge [sflag:s14], $0x2780  }
0x5e: {  	[sflag:s14] =	ssyncset.done $0x0  }
0x5f: {  	[sflag:s14] =	ssyncadd.s32 $0xFFFFD880  }
0x60: {  	_ =	sfence.sel $0x180000  }
0x61: {  	[bflag:$0x0] =	sbarrier.arrive $0xFFFF  }
0x62: {  	p0 =	sne.s32 s1, $0x0;
	_ =	strace $0x9000004A  }
0x63: {  	s0 =	sadd.s32 @!p0 $0x100000, s0;
	[bflag:$0x2] =	sbarrier.arrive $0xFFFF  }
0x64: {  	[sflag:s0] =	ssyncadd.tile.s32 @!p0 $0x1;
	_ =	shalt  }
.Lfunc_end2:
_tile_overlayer_lowered:
.L_overlay_start_2:
0x65: {  	(tag) =	ssettag $0x2  }
0x66: {  	s0 =	rddreg [dreg:$0x0];
	s2 =	stileid.u32  }
0x67: {  	s1 =	rddreg [dreg:$0x1];
	p0 =	sne.s32 s2, $0x0  }
0x68: {  	s3 =	rddreg [dreg:$0x2];
	[bflag:$0x3] =	sbarrier.arrive $0xFFFF;
	s2 =	simm.s32 @!p0 $0x1C01  }
0x69: {  	[timem:s3], [sflag:s2] =	dma.local @!p0 [hbm:s0], s1  }
0x6a: {  	s0 =	simm.s32 @!p0 $0x1  }
0x6b: {  	_ =	swait.ge @!p0 [sflag:s0], s1  }
0x6c: {  	s1 =	ssub.s32 @!p0 $0x0, s1;
	[sflag:s0] =	ssyncset.done @!p0 $0x0  }
0x6d: {  	[sflag:s0] =	ssyncadd.s32 @!p0 s1  }
0x6e: {  	[bflag:$0x3] =	sbarrier.arrive $0xFFFF  }
0x6f: {  	_ =	shalt  }

// kernel: kernel.15.cloned.1.call-start
scs
__scs_entry_jumppad:
0x0: {  	(pc) =	sbr.rel $0x88, $3  }
0x1: {  	(tag) =	ssettag $0x0;
	lr =	simm.s32 $0x1  }
0x2: {  	[smem:$0x3F9B] =	sst lr;
	_ =	strace $0xD0000000  }
0x3: {  	_ = 	snop  }
0x4: {  	_ = 	snop  }
0x5: {  	_ = 	snop  }
0x6: {  	_ = 	snop  }
0x7: {  	_ = 	snop  }
__scs_overlays_trampoline_lowered:
0x8: {  	[smem:$0x3FAA] =	sst s0  }
0x9: {  	[smem:$0x3FAB] =	sst s1  }
0xa: {  	[smem:$0x3FAC] =	sst s2  }
0xb: {  	[smem:$0x3FAD] =	sst s3  }
0xc: {  	[smem:$0x3FAE] =	sst s4  }
0xd: {  	[smem:$0x3FAF] =	sst s5  }
0xe: {  	[smem:$0x3FB0] =	sst s6  }
0xf: {  	[smem:$0x3FB1] =	sst s7  }
0x10: {  	[smem:$0x3FB2] =	sst s8  }
0x11: {  	[smem:$0x3FB3] =	sst s9;
	s0 =	simm.s32 @!p0 $0x0  }
0x12: {  	s1 =	sld [smem:$0x3F99];
	s0 =	simm.s32 @p0 $0x1  }
0x13: {  	[smem:$0x3FB4] =	sst s0;
	s0 =	simm.s32 @!p1 $0x0  }
0x14: {  	s2 =	sld [smem:$0x3F98];
	s0 =	simm.s32 @p1 $0x1  }
0x15: {  	[smem:$0x3FB5] =	sst s0;
	s0 =	simm.s32 @!p2 $0x0  }
0x16: {  	s3 =	sld [smem:$0x3FDB];
	s0 =	simm.s32 @p2 $0x1  }
0x17: {  	s4 =	simm.s32 $0x1BF5;
	[smem:$0x3FB7] =	sst s0  }
0x18: {  	s0 =	sld [smem:$0x3F9A];
	_ =	swait.ge [sflag:s4], $0x0  }
0x19: {  	s7 =	sld [smem:$0x3F9B]  }
0x1a: {  	s8 =	sadd.s32 $0xFFFFE003, lr  }
0x1b: {  	s9 =	sadd.s32 $0xFFFFFEF7, lr;
	s5 =	simm.s32 $0xFFFFFFFF;
	p2 =	slt.u32 s8, $0xFFFFF086  }
0x1c: {  	p1 =	slt.u32 s9, $0xF7A;
	s5 =	simm.s32 @!p2 $0x0  }
0x1d: {  	s5 =	simm.s32 @p1 $0x1;
	p0 =	seq.s32 s7, s2  }
0x1e: {  	s7 =	smul.u32 @!p0 $0xF7A, s2;
	p2 =	seq.s32 @!p0 s5, $0x0  }
0x1f: {  	s9 =	smul.u32 $0xF7A, s1;
	s8 =	simm.s32 @!p0 $0x1BF5;
	p2 =	por !p2, p0  }
0x20: {  	[sflag:s8] =	ssyncset.s32 @!p0 $0xFFFFF086;
	s6 =	sadd.s32 @!p0 s3, s7;
	s7 =	simm.s32 @!p0 $0x108  }
0x21: {  	s3 =	sadd.s32 s3, s9;
	s6 =	sadd.s32 @!p0 $0x88, s6;
	s7 =	simm.s32 @p2 $0x1082  }
0x22: {  	[simem:s7], [sflag:s8] =	dma.local @!p0 [hbm:s6], $0xF7A  }
0x23: {  	s9 =	sor.u32 $0xD0000000, s2;
	s6 =	simm.s32 $0x108;
	_ =	swait.ge @!p0 [sflag:s8], $0x0  }
0x24: {  	s3 =	sadd.s32 $0x88, s3;
	s6 =	simm.s32 @!p1 $0x1082;
	[sflag:s4] =	ssyncset.s32 $0xFFFFF086  }
0x25: {  	[simem:s6], [sflag:s4] =	dma.local [hbm:s3], $0xF7A  }
0x26: {  	[smem:$0x3F9B] =	sst s1;
	(tag) =	ssettag s2;
	_ =	strace s9  }
0x27: {  	s1 =	sld [smem:$0x3FAB]  }
0x28: {  	s2 =	sld [smem:$0x3FAC]  }
0x29: {  	s4 =	sld [smem:$0x3FAE]  }
0x2a: {  	p0 =	seq.s32 s5, $0x0;
	s5 =	sld [smem:$0x3FAF]  }
0x2b: {  	s6 =	sld [smem:$0x3FB0]  }
0x2c: {  	s7 =	sld [smem:$0x3FB1]  }
0x2d: {  	s3 =	simm.s32 $0x108;
	s8 =	sld [smem:$0x3FB2]  }
0x2e: {  	s3 =	simm.s32 @!p0 $0x1082;
	s9 =	sld [smem:$0x3FB3]  }
0x2f: {  	lr =	sadd.s32 s0, s3;
	s0 =	sld [smem:$0x3FAA]  }
0x30: {  	s3 =	sld [smem:$0x3FAD]  }
0x31: {  	[smem:$0x3FB6] =	sst s10  }
0x32: {  	s10 =	sld [smem:$0x3FB4];
	_ =	sdelay $0x3  }
0x33: {  	p0 =	seq.s32 s10, $0x1;
	s10 =	sld [smem:$0x3FB6];
	_ =	sdelay $0x3  }
0x34: {  	[smem:$0x3FB6] =	sst s10  }
0x35: {  	s10 =	sld [smem:$0x3FB5];
	_ =	sdelay $0x3  }
0x36: {  	p1 =	seq.s32 s10, $0x1;
	s10 =	sld [smem:$0x3FB6];
	_ =	sdelay $0x3  }
0x37: {  	[smem:$0x3FB6] =	sst s10  }
0x38: {  	s10 =	sld [smem:$0x3FB7]  }
0x39: {  	_ = 	snop;
	(pc) =	sbr.ind lr, $3  }
0x3a: {  	_ = 	snop  }
0x3b: {  	_ = 	snop  }
0x3c: {  	p2 =	seq.s32 s10, $0x1;
	s10 =	sld [smem:$0x3FB6]  }
0x3d: {  	_ =	shalt  }
0x3e: {  	_ =	shalt  }
0x3f: {  	_ =	shalt  }
0x40: {  	_ =	shalt  }
0x41: {  	_ =	shalt  }
0x42: {  	_ =	shalt  }
0x43: {  	_ =	shalt  }
0x44: {  	_ =	shalt  }
0x45: {  	_ =	shalt  }
0x46: {  	_ =	shalt  }
0x47: {  	_ =	shalt  }
0x48: {  	_ =	shalt  }
0x49: {  	_ =	shalt  }
0x4a: {  	_ =	shalt  }
0x4b: {  	_ =	shalt  }
0x4c: {  	_ =	shalt  }
0x4d: {  	_ =	shalt  }
0x4e: {  	_ =	shalt  }
0x4f: {  	_ =	shalt  }
0x50: {  	_ =	shalt  }
0x51: {  	_ =	shalt  }
0x52: {  	_ =	shalt  }
0x53: {  	_ =	shalt  }
0x54: {  	_ =	shalt  }
0x55: {  	_ =	shalt  }
0x56: {  	_ =	shalt  }
0x57: {  	_ =	shalt  }
0x58: {  	_ =	shalt  }
0x59: {  	_ =	shalt  }
0x5a: {  	_ =	shalt  }
0x5b: {  	_ =	shalt  }
0x5c: {  	_ =	shalt  }
0x5d: {  	_ =	shalt  }
0x5e: {  	_ =	shalt  }
0x5f: {  	_ =	shalt  }
0x60: {  	_ =	shalt  }
0x61: {  	_ =	shalt  }
0x62: {  	_ =	shalt  }
0x63: {  	_ =	shalt  }
0x64: {  	_ =	shalt  }
0x65: {  	_ =	shalt  }
0x66: {  	_ =	shalt  }
0x67: {  	_ =	shalt  }
0x68: {  	_ =	shalt  }
0x69: {  	_ =	shalt  }
0x6a: {  	_ =	shalt  }
0x6b: {  	_ =	shalt  }
0x6c: {  	_ =	shalt  }
0x6d: {  	_ =	shalt  }
0x6e: {  	_ =	shalt  }
0x6f: {  	_ =	shalt  }
0x70: {  	_ =	shalt  }
0x71: {  	_ =	shalt  }
0x72: {  	_ =	shalt  }
0x73: {  	_ =	shalt  }
0x74: {  	_ =	shalt  }
0x75: {  	_ =	shalt  }
0x76: {  	_ =	shalt  }
0x77: {  	_ =	shalt  }
0x78: {  	_ =	shalt  }
0x79: {  	_ =	shalt  }
0x7a: {  	_ =	shalt  }
0x7b: {  	_ =	shalt  }
0x7c: {  	_ =	shalt  }
0x7d: {  	_ =	shalt  }
0x7e: {  	_ =	shalt  }
0x7f: {  	_ =	shalt  }
0x80: {  	_ =	shalt  }
0x81: {  	_ =	shalt  }
0x82: {  	_ =	shalt  }
0x83: {  	_ =	shalt  }
0x84: {  	_ =	shalt  }
0x85: {  	_ =	shalt  }
0x86: {  	_ =	shalt  }
0x87: {  	_ =	shalt  }
.Lfunc_end0:
.L_simem_size_0:
called_computation.2_lowered:
.L_overlay_start_0:
0x88: {  	s2 =	sld [smem:$0x3FD9]  }
0x89: {  	s3 =	sld [smem:$0x3FFE];
	_ =	sdelay $0x1  }
0x8a: {  	s1 =	srdreg.scid  }
0x8b: {  	s0 =	sand.u32 $0x1, s1  }
0x8c: {  	s16 =	sshll.u32 s0, $0xA;
	s2 =	sadd.s32 s3, s2  }
0x8d: {  	s2 =	sadd.s32 s2, s16  }
0x8e: {  	[smem:$0x3FC2] =	sst s2  }
0x8f: {  	_ = 	snop  }
0x90: {  	(tm) =	ssettm $0x1  }
0x91: {  	s17 =	sld [smem:$0x3FFB];
	_ =	sdelay $0x3  }
0x92: {  	_ =	strace s17  }
0x93: {  	s2 =	sld [smem:$0x3FFC];
	_ =	sdelay $0x3  }
0x94: {  	_ =	strace s2  }
0x95: {  	s2 =	sld [smem:$0x3FFD];
	_ =	sdelay $0x3  }
0x96: {  	_ =	strace s2  }
0x97: {  	_ =	strace $0x8FFFFFFF  }
0x98: {  	s18 =	sld [smem:$0x3FDB];
	_ =	sdelay $0x1  }
0x99: {  	s19 =	simm.s32 $_scs_section_size  }
0x9a: {  	s4 =	simm.s32 $_size__tile_overlayer_lowered;
	s5 =	simm.s32 $_tile_overlayer_lowered  }
0x9b: {  	s22 =	simm.s32 $0x1BFF;
	s21 =	sshll.u32 s5, $0x1;
	s2 =	sadd.s32 s19, s18  }
0x9c: {  	s6 =	simm.s32 $0x0;
	s20 =	sshll.u32 s4, $0x1;
	s4 =	sadd.s32 s21, s2  }
0x9d: {  	[timem:s6], [sflag:s22] =	dma.local [hbm:s4], s20  }
0x9e: {  	_ =	swait.ge [sflag:s22], s20  }
0x9f: {  	s3 =	ssub.s32 $0x0, s20;
	[sflag:s22] =	ssyncset.done $0x0  }
0xa0: {  	[sflag:s22] =	ssyncadd.s32 s3;
	_ =	sdelay $0x1  }
0xa1: {  	s23 =	simm.s32 $0x1B8B  }
0xa2: {  	_ =	swait.ge [sflag:s23], $0x1  }
0xa3: {  	[sflag:s23] =	ssyncset.done $0x0  }
0xa4: {  	s25 =	simm.s32 $0x1B8E;
	s24 =	sld [smem:$0x3FFE];
	[sflag:s23] =	ssyncadd.s32 $0xFFFFFFFF  }
0xa5: {  	s26 =	simm.s32 $execute0_lowered;
	[smem:$0x3FD2] =	sst s25  }
0xa6: {  	s4 =	sshll.u32 s26, $0x1;
	_ =	strace $0x8000004C;
	[dreg:$0x1] =	wrdreg $0xFFFFFFFF  }
0xa7: {  	s28 =	simm.s32 $_size_execute0_lowered;
	s2 =	sadd.s32 s2, s4;
	[dreg:$0x0] =	wrdreg $0x0  }
0xa8: {  	s4 =	sshll.u32 s28, $0x1;
	[dreg:$0x2] =	wrdreg s2  }
0xa9: {  	[dreg:$0x3] =	wrdreg s4  }
0xaa: {  	[dreg:$0x4] =	wrdreg $0xC0  }
0xab: {  	_ =	task [dreg:s6], $0x5FFFF  }
0xac: {  	[dreg:$0x1] =	wrdreg $0xFFFFFFFF  }
0xad: {  	[dreg:$0x0] =	wrdreg $0x60  }
0xae: {  	[dreg:$0x2] =	wrdreg s24  }
0xaf: {  	[dreg:$0x3] =	wrdreg $0x68000  }
0xb0: {  	[dreg:$0x4] =	wrdreg $0x9  }
0xb1: {  	_ =	task.clear_ibuf [dreg:s6], $0x5FFFF;
	_ =	strace $0x9000004C  }
0xb2: {  	s29 =	simm.s32 $0x9;
	_ =	strace $0x8000004E  }
0xb3: {  	_ =	swait.ge [sflag:s29], $0x1  }
0xb4: {  	[sflag:s29] =	ssyncadd.s32 $0xFFFFFFFF  }
0xb5: {  	_ =	strace $0x9000004E  }
0xb6: {  	_ =	sfence  }
0xb7: {  	s30 =	sld [smem:$0x0];
	_ =	sdelay $0x2  }
0xb8: {  	s31 =	sshll.u32 s1, $0xD;
	s1 =	sshrl.u32 s1, $0x2  }
0xb9: {  	s3 =	sand.u32 $0x4000, s31;
	s1 =	sadd.s32 s1, s30  }
0xba: {  	s0 =	sor.u32 s3, s0;
	s1 =	sshll.u32 s1, $0x11  }
0xbb: {  	s0 =	sor.u32 s1, s0  }
0xbc: {  	s0 =	sadd.s32 $0x8F2B, s0  }
0xbd: {  	[sflag:s0] =	ssyncadd.remote.s32 $0x1  }
0xbe: {  	_ =	sfence.sel $0xFFFF  }
0xbf: {  	[dreg:$0x0] =	wrdreg $0xFFFFFFFF;
	(pc) =	sbr.abs _section_cstart, $3  }
0xc0: {  	[dreg:$0x1] =	wrdreg $0xFFFFFFFF  }
0xc1: {  	_ =	task.clear_ibuf [dreg:s6], $0x2FFFF;
	_ =	strace $0x9FFFFFFF  }
0xc2: {  	(tm) =	ssettm $0x7FFFFFFF  }
0xc3: {  	_ =	shalt  }
tec
execute0_lowered:
.L_overlay_start_1:
0x0: {  	(tag) =	ssettag $0x1  }
0x1: {  	s6 =	rddreg [dreg:$0x0]  }
0x2: {  	s0 =	srdreg.scid;
	s2 =	rddreg [dreg:$0x1];
	s3 =	simm.s32 $0x0  }
0x3: {  	s14 =	simm.s32 $0x80;
	s5 =	sand.u32 $0x1, s0;
	s0 =	stileid.u32  }
0x4: {  	s15 =	simm.s32 $0x2800;
	s16 =	simm.s32 $0x0;
	s8 =	smul.u32 $0x13C00, s0  }
0x5: {  	[smem:$0x7FF] =	sst s3;
	s4 =	sadd.s32 $0x7E600, s6;
	s9 =	smul.u32 $0x13C000, s5  }
0x6: {  	s1 =	sshll.u32 s5, $0x4;
	s28 =	smul.u32 $0x4F000, s0;
	s5 =	ssub.s32 $0x2, s5  }
0x7: {  	s31 =	sshll.u32 s0, $0x6;
	s1 =	sor.u32 s0, s1;
	s29 =	sshrl.u32 s5, $0x1  }
0x8: {  	s7 =	smul.u32 $0x280, s1;
	s1 =	rddreg [dreg:$0x2];
	_ =	strace $0x8000004D  }
0x9: {  	s26 =	sshrl.u32 s8, $0x3;
	s8 =	sadd.s32 s8, s9;
	s30 =	sshrl.u32 s28, $0x2  }
0xa: {  	s12 =	ssub.s32 s5, s29;
	s8 =	sshrl.u32 s8, $0x3;
	s13 =	sadd.s32 s30, s2  }
0xb: {  	s10 =	sadd.s32 s7, s6;
	s7 =	sadd.s32 s26, s6;
	s11 =	sadd.s32 s8, s6  }
0xc: {  	s6 =	sor.u32 $0x1C01, s31;
	s5 =	sadd.s32 $0x7E00, s7;
	s7 =	sadd.s32 $0x11B800, s10  }
0xd: {  	s8 =	sadd.s32 $0x2E00, s10;
	s9 =	sadd.s32 $0xA5800, s11;
	s10 =	smax.u32 s12, $0x1  }
0xe: {  	s11 =	sshrl.u32 s13, $0x3;
	s12 =	simm.s32 $0x1;
	s13 =	simm.s32 $0x1400  }
.LBB2_1:
0xf: {  	[spmem:s11], [sflag:s6] =	dma.local [hbm:s5], $0x2780  }
0x10: {  	_ =	swait.ge [sflag:s12], $0x2780  }
0x11: {  	[sflag:s12] =	ssyncset.done $0x0  }
0x12: {  	[sflag:s12] =	ssyncadd.s32 $0xFFFFD880  }
0x13: {  	[bflag:$0x0] =	sbarrier.arrive $0xFFFF  }
0x14: {  	[tilespmem:s3], [sflag:$0x1] =	stream.linear.gather [hbm4b:s7+s3], $0x1400, $0x38;
	[tilespmem:$0x1A400] =	vst v63  }
0x15: {  	_ =	swait.ge [sflag:s12], $0x1400  }
0x16: {  	[sflag:s12] =	ssyncset.done $0x0  }
0x17: {  	[sflag:s12] =	ssyncadd.s32 $0xFFFFEC00  }
0x18: {  	[tilespmem:s13], [sflag:$0x1] =	stream.linear.gather [hbm4b:s8+s3], $0x1400, $0x38;
	[tilespmem:$0x1A400] =	vst v63  }
0x19: {  	_ =	swait.ge [sflag:s12], $0x1400  }
0x1a: {  	[sflag:s12] =	ssyncset.done $0x0  }
0x1b: {  	s17 =	simm.s32 $0x0;
	[sflag:s12] =	ssyncadd.s32 $0xFFFFEC00  }
0x1c: {  	[tilespmem:s15], [sflag:$0x1] =	stream.indirect.gather [hbm4b:s4+s14], $0x80, s17, s14, $0xb8;
	[tilespmem:$0x1A400] =	vst v63  }
0x1d: {  	_ =	swait.ge [sflag:s12], $0x4000  }
0x1e: {  	[sflag:s12] =	ssyncset.done $0x0  }
0x1f: {  	s31 =	simm.s32 $0x1400;
	[sflag:s12] =	ssyncadd.s32 $0xFFFFC000  }
0x20: {  	[spmem:s2] =	stream.indirect.scatter.add.f32 [tilespmem:s15], [sflag:$0x1], $0x80, s31, s14, $0xb8;
	[tilespmem:$0x1A400] =	vst v63  }
0x21: {  	_ =	swait.ge [sflag:s12], $0x4000  }
0x22: {  	s18 =	simm.s32 $0x400;
	s17 =	simm.s32 $0x200;
	[sflag:s12] =	ssyncset.done $0x0  }
.LBB2_2:
0x23: {  	s19 =	sshra.s32 s17, $0x2  }
0x24: {  	[sflag:s12] =	ssyncadd.s32 $0xFFFFC000;
	s17 =	smov.u32 s18;
	s20 =	sadd.s32 $0x200, s18  }
0x25: {  	[tilespmem:s15], [sflag:$0x1] =	stream.indirect.gather [hbm4b:s4+s14], $0x80, s19, s14, $0xb8;
	[tilespmem:$0x1A400] =	vst v63  }
0x26: {  	p0 =	sne.s32 s18, $0x4E00;
	_ =	swait.ge [sflag:s12], $0x4000  }
.Ltmp0:
0x27: {  	[sflag:s12] =	ssyncset.done $0x0;
	(pc) =	sbr.rel @p0 .LBB2_2-.Ltmp0, $4  }
0x28: {  	s18 =	sadd.s32 $0x1400, s19;
	[sflag:s12] =	ssyncadd.s32 $0xFFFFC000  }
0x29: {  	[spmem:s2] =	stream.indirect.scatter.add.f32 [tilespmem:s15], [sflag:$0x1], $0x80, s18, s14, $0xb8;
	[tilespmem:$0x1A400] =	vst v63  }
0x2a: {  	_ =	swait.ge [sflag:s12], $0x4000  }
0x2b: {  	s18 =	smov.u32 s20;
	[sflag:s12] =	ssyncset.done $0x0  }
0x2c: {  	s17 =	sshra.s32 s17, $0x2;
	[sflag:s12] =	ssyncadd.s32 $0xFFFFC000  }
0x2d: {  	[tilespmem:s15], [sflag:$0x1] =	stream.indirect.gather [hbm4b:s4+s14], $0x80, s17, s14, $0xb8;
	[tilespmem:$0x1A400] =	vst v63  }
0x2e: {  	_ =	swait.ge [sflag:s12], $0x4000  }
0x2f: {  	[sflag:s12] =	ssyncset.done $0x0  }
0x30: {  	s17 =	sadd.s32 $0x1400, s17;
	[sflag:s12] =	ssyncadd.s32 $0xFFFFC000  }
0x31: {  	[spmem:s2] =	stream.indirect.scatter.add.f32 [tilespmem:s15], [sflag:$0x1], $0x80, s17, s14, $0xb8;
	[tilespmem:$0x1A400] =	vst v63  }
0x32: {  	_ =	swait.ge [sflag:s12], $0x4000  }
0x33: {  	s16 =	sadd.s32 $0x1, s16;
	[sflag:s12] =	ssyncset.done $0x0  }
0x34: {  	p0 =	sne.s32 s16, s10;
	[sflag:s12] =	ssyncadd.s32 $0xFFFFC000  }
.Ltmp1:
0x35: {  	[bflag:$0x0] =	sbarrier.arrive $0xFFFF;
	(pc) =	sbr.rel @p0 .LBB2_1-.Ltmp1, $4  }
0x36: {  	[hbm:s9], [sflag:s6] =	dma.local [spmem:s11], $0x2780  }
0x37: {  	_ =	swait.ge [sflag:s12], $0x2780  }
0x38: {  	[sflag:s12] =	ssyncset.done $0x0  }
0x39: {  	[sflag:s12] =	ssyncadd.s32 $0xFFFFD880  }
0x3a: {  	_ =	sfence.sel $0x180000  }
0x3b: {  	[bflag:$0x0] =	sbarrier.arrive $0xFFFF  }
0x3c: {  	p0 =	sne.s32 s0, $0x0;
	_ =	strace $0x9000004D  }
0x3d: {  	s0 =	sadd.s32 @!p0 $0x100000, s1;
	[bflag:$0x2] =	sbarrier.arrive $0xFFFF  }
0x3e: {  	[sflag:s0] =	ssyncadd.tile.s32 @!p0 $0x1;
	_ =	shalt  }
.Lfunc_end2:
_tile_overlayer_lowered:
.L_overlay_start_2:
0x3f: {  	(tag) =	ssettag $0x2  }
0x40: {  	s0 =	rddreg [dreg:$0x0];
	s2 =	stileid.u32  }
0x41: {  	s1 =	rddreg [dreg:$0x1];
	p0 =	sne.s32 s2, $0x0  }
0x42: {  	s3 =	rddreg [dreg:$0x2];
	[bflag:$0x3] =	sbarrier.arrive $0xFFFF;
	s2 =	simm.s32 @!p0 $0x1C01  }
0x43: {  	[timem:s3], [sflag:s2] =	dma.local @!p0 [hbm:s0], s1  }
0x44: {  	s0 =	simm.s32 @!p0 $0x1  }
0x45: {  	_ =	swait.ge @!p0 [sflag:s0], s1  }
0x46: {  	s1 =	ssub.s32 @!p0 $0x0, s1;
	[sflag:s0] =	ssyncset.done @!p0 $0x0  }
0x47: {  	[sflag:s0] =	ssyncadd.s32 @!p0 s1  }
0x48: {  	[bflag:$0x3] =	sbarrier.arrive $0xFFFF  }
0x49: {  	_ =	shalt  }

// kernel: kernel.9.cloned.1.call-start
scs
__scs_entry_jumppad:
0x0: {  	(pc) =	sbr.rel $0x88, $3  }
0x1: {  	(tag) =	ssettag $0x0;
	lr =	simm.s32 $0x1  }
0x2: {  	[smem:$0x3F9B] =	sst lr;
	_ =	strace $0xD0000000  }
0x3: {  	_ = 	snop  }
0x4: {  	_ = 	snop  }
0x5: {  	_ = 	snop  }
0x6: {  	_ = 	snop  }
0x7: {  	_ = 	snop  }
__scs_overlays_trampoline_lowered:
0x8: {  	[smem:$0x3FAA] =	sst s0  }
0x9: {  	[smem:$0x3FAB] =	sst s1  }
0xa: {  	[smem:$0x3FAC] =	sst s2  }
0xb: {  	[smem:$0x3FAD] =	sst s3  }
0xc: {  	[smem:$0x3FAE] =	sst s4  }
0xd: {  	[smem:$0x3FAF] =	sst s5  }
0xe: {  	[smem:$0x3FB0] =	sst s6  }
0xf: {  	[smem:$0x3FB1] =	sst s7  }
0x10: {  	[smem:$0x3FB2] =	sst s8  }
0x11: {  	[smem:$0x3FB3] =	sst s9;
	s0 =	simm.s32 @!p0 $0x0  }
0x12: {  	s1 =	sld [smem:$0x3F99];
	s0 =	simm.s32 @p0 $0x1  }
0x13: {  	[smem:$0x3FB4] =	sst s0;
	s0 =	simm.s32 @!p1 $0x0  }
0x14: {  	s2 =	sld [smem:$0x3F98];
	s0 =	simm.s32 @p1 $0x1  }
0x15: {  	[smem:$0x3FB5] =	sst s0;
	s0 =	simm.s32 @!p2 $0x0  }
0x16: {  	s3 =	sld [smem:$0x3FDB];
	s0 =	simm.s32 @p2 $0x1  }
0x17: {  	s4 =	simm.s32 $0x1BF5;
	[smem:$0x3FB7] =	sst s0  }
0x18: {  	s0 =	sld [smem:$0x3F9A];
	_ =	swait.ge [sflag:s4], $0x0  }
0x19: {  	s7 =	sld [smem:$0x3F9B]  }
0x1a: {  	s8 =	sadd.s32 $0xFFFFE003, lr  }
0x1b: {  	s9 =	sadd.s32 $0xFFFFFEF7, lr;
	s5 =	simm.s32 $0xFFFFFFFF;
	p2 =	slt.u32 s8, $0xFFFFF086  }
0x1c: {  	p1 =	slt.u32 s9, $0xF7A;
	s5 =	simm.s32 @!p2 $0x0  }
0x1d: {  	s5 =	simm.s32 @p1 $0x1;
	p0 =	seq.s32 s7, s2  }
0x1e: {  	s7 =	smul.u32 @!p0 $0xF7A, s2;
	p2 =	seq.s32 @!p0 s5, $0x0  }
0x1f: {  	s9 =	smul.u32 $0xF7A, s1;
	s8 =	simm.s32 @!p0 $0x1BF5;
	p2 =	por !p2, p0  }
0x20: {  	[sflag:s8] =	ssyncset.s32 @!p0 $0xFFFFF086;
	s6 =	sadd.s32 @!p0 s3, s7;
	s7 =	simm.s32 @!p0 $0x108  }
0x21: {  	s3 =	sadd.s32 s3, s9;
	s6 =	sadd.s32 @!p0 $0x88, s6;
	s7 =	simm.s32 @p2 $0x1082  }
0x22: {  	[simem:s7], [sflag:s8] =	dma.local @!p0 [hbm:s6], $0xF7A  }
0x23: {  	s9 =	sor.u32 $0xD0000000, s2;
	s6 =	simm.s32 $0x108;
	_ =	swait.ge @!p0 [sflag:s8], $0x0  }
0x24: {  	s3 =	sadd.s32 $0x88, s3;
	s6 =	simm.s32 @!p1 $0x1082;
	[sflag:s4] =	ssyncset.s32 $0xFFFFF086  }
0x25: {  	[simem:s6], [sflag:s4] =	dma.local [hbm:s3], $0xF7A  }
0x26: {  	[smem:$0x3F9B] =	sst s1;
	(tag) =	ssettag s2;
	_ =	strace s9  }
0x27: {  	s1 =	sld [smem:$0x3FAB]  }
0x28: {  	s2 =	sld [smem:$0x3FAC]  }
0x29: {  	s4 =	sld [smem:$0x3FAE]  }
0x2a: {  	p0 =	seq.s32 s5, $0x0;
	s5 =	sld [smem:$0x3FAF]  }
0x2b: {  	s6 =	sld [smem:$0x3FB0]  }
0x2c: {  	s7 =	sld [smem:$0x3FB1]  }
0x2d: {  	s3 =	simm.s32 $0x108;
	s8 =	sld [smem:$0x3FB2]  }
0x2e: {  	s3 =	simm.s32 @!p0 $0x1082;
	s9 =	sld [smem:$0x3FB3]  }
0x2f: {  	lr =	sadd.s32 s0, s3;
	s0 =	sld [smem:$0x3FAA]  }
0x30: {  	s3 =	sld [smem:$0x3FAD]  }
0x31: {  	[smem:$0x3FB6] =	sst s10  }
0x32: {  	s10 =	sld [smem:$0x3FB4];
	_ =	sdelay $0x3  }
0x33: {  	p0 =	seq.s32 s10, $0x1;
	s10 =	sld [smem:$0x3FB6];
	_ =	sdelay $0x3  }
0x34: {  	[smem:$0x3FB6] =	sst s10  }
0x35: {  	s10 =	sld [smem:$0x3FB5];
	_ =	sdelay $0x3  }
0x36: {  	p1 =	seq.s32 s10, $0x1;
	s10 =	sld [smem:$0x3FB6];
	_ =	sdelay $0x3  }
0x37: {  	[smem:$0x3FB6] =	sst s10  }
0x38: {  	s10 =	sld [smem:$0x3FB7]  }
0x39: {  	_ = 	snop;
	(pc) =	sbr.ind lr, $3  }
0x3a: {  	_ = 	snop  }
0x3b: {  	_ = 	snop  }
0x3c: {  	p2 =	seq.s32 s10, $0x1;
	s10 =	sld [smem:$0x3FB6]  }
0x3d: {  	_ =	shalt  }
0x3e: {  	_ =	shalt  }
0x3f: {  	_ =	shalt  }
0x40: {  	_ =	shalt  }
0x41: {  	_ =	shalt  }
0x42: {  	_ =	shalt  }
0x43: {  	_ =	shalt  }
0x44: {  	_ =	shalt  }
0x45: {  	_ =	shalt  }
0x46: {  	_ =	shalt  }
0x47: {  	_ =	shalt  }
0x48: {  	_ =	shalt  }
0x49: {  	_ =	shalt  }
0x4a: {  	_ =	shalt  }
0x4b: {  	_ =	shalt  }
0x4c: {  	_ =	shalt  }
0x4d: {  	_ =	shalt  }
0x4e: {  	_ =	shalt  }
0x4f: {  	_ =	shalt  }
0x50: {  	_ =	shalt  }
0x51: {  	_ =	shalt  }
0x52: {  	_ =	shalt  }
0x53: {  	_ =	shalt  }
0x54: {  	_ =	shalt  }
0x55: {  	_ =	shalt  }
0x56: {  	_ =	shalt  }
0x57: {  	_ =	shalt  }
0x58: {  	_ =	shalt  }
0x59: {  	_ =	shalt  }
0x5a: {  	_ =	shalt  }
0x5b: {  	_ =	shalt  }
0x5c: {  	_ =	shalt  }
0x5d: {  	_ =	shalt  }
0x5e: {  	_ =	shalt  }
0x5f: {  	_ =	shalt  }
0x60: {  	_ =	shalt  }
0x61: {  	_ =	shalt  }
0x62: {  	_ =	shalt  }
0x63: {  	_ =	shalt  }
0x64: {  	_ =	shalt  }
0x65: {  	_ =	shalt  }
0x66: {  	_ =	shalt  }
0x67: {  	_ =	shalt  }
0x68: {  	_ =	shalt  }
0x69: {  	_ =	shalt  }
0x6a: {  	_ =	shalt  }
0x6b: {  	_ =	shalt  }
0x6c: {  	_ =	shalt  }
0x6d: {  	_ =	shalt  }
0x6e: {  	_ =	shalt  }
0x6f: {  	_ =	shalt  }
0x70: {  	_ =	shalt  }
0x71: {  	_ =	shalt  }
0x72: {  	_ =	shalt  }
0x73: {  	_ =	shalt  }
0x74: {  	_ =	shalt  }
0x75: {  	_ =	shalt  }
0x76: {  	_ =	shalt  }
0x77: {  	_ =	shalt  }
0x78: {  	_ =	shalt  }
0x79: {  	_ =	shalt  }
0x7a: {  	_ =	shalt  }
0x7b: {  	_ =	shalt  }
0x7c: {  	_ =	shalt  }
0x7d: {  	_ =	shalt  }
0x7e: {  	_ =	shalt  }
0x7f: {  	_ =	shalt  }
0x80: {  	_ =	shalt  }
0x81: {  	_ =	shalt  }
0x82: {  	_ =	shalt  }
0x83: {  	_ =	shalt  }
0x84: {  	_ =	shalt  }
0x85: {  	_ =	shalt  }
0x86: {  	_ =	shalt  }
0x87: {  	_ =	shalt  }
.Lfunc_end0:
.L_simem_size_0:
called_computation_lowered:
.L_overlay_start_0:
0x88: {  	s2 =	sld [smem:$0x3FD9]  }
0x89: {  	s3 =	sld [smem:$0x3FFE];
	_ =	sdelay $0x1  }
0x8a: {  	s1 =	srdreg.scid  }
0x8b: {  	s0 =	sand.u32 $0x1, s1  }
0x8c: {  	s16 =	sshll.u32 s0, $0xA;
	s2 =	sadd.s32 s3, s2  }
0x8d: {  	s2 =	sadd.s32 s2, s16  }
0x8e: {  	[smem:$0x3FC2] =	sst s2  }
0x8f: {  	_ = 	snop  }
0x90: {  	(tm) =	ssettm $0x1  }
0x91: {  	s17 =	sld [smem:$0x3FFB];
	_ =	sdelay $0x3  }
0x92: {  	_ =	strace s17  }
0x93: {  	s2 =	sld [smem:$0x3FFC];
	_ =	sdelay $0x3  }
0x94: {  	_ =	strace s2  }
0x95: {  	s2 =	sld [smem:$0x3FFD];
	_ =	sdelay $0x3  }
0x96: {  	_ =	strace s2  }
0x97: {  	_ =	strace $0x8FFFFFFF  }
0x98: {  	s18 =	sld [smem:$0x3FDB];
	_ =	sdelay $0x1  }
0x99: {  	s19 =	simm.s32 $_scs_section_size  }
0x9a: {  	s4 =	simm.s32 $_size__tile_overlayer_lowered;
	s5 =	simm.s32 $_tile_overlayer_lowered  }
0x9b: {  	s22 =	simm.s32 $0x1BFF;
	s21 =	sshll.u32 s5, $0x1;
	s2 =	sadd.s32 s19, s18  }
0x9c: {  	s6 =	simm.s32 $0x0;
	s20 =	sshll.u32 s4, $0x1;
	s4 =	sadd.s32 s21, s2  }
0x9d: {  	[timem:s6], [sflag:s22] =	dma.local [hbm:s4], s20  }
0x9e: {  	_ =	swait.ge [sflag:s22], s20  }
0x9f: {  	s3 =	ssub.s32 $0x0, s20;
	[sflag:s22] =	ssyncset.done $0x0  }
0xa0: {  	[sflag:s22] =	ssyncadd.s32 s3;
	_ =	sdelay $0x1  }
0xa1: {  	s23 =	simm.s32 $0x1B8B  }
0xa2: {  	_ =	swait.ge [sflag:s23], $0x1  }
0xa3: {  	[sflag:s23] =	ssyncset.done $0x0  }
0xa4: {  	s25 =	simm.s32 $0x1B8E;
	s24 =	sld [smem:$0x3FFE];
	[sflag:s23] =	ssyncadd.s32 $0xFFFFFFFF  }
0xa5: {  	s26 =	simm.s32 $execute0_lowered;
	[smem:$0x3FD2] =	sst s25  }
0xa6: {  	s4 =	sshll.u32 s26, $0x1;
	_ =	strace $0x80000046;
	[dreg:$0x1] =	wrdreg $0xFFFFFFFF  }
0xa7: {  	s28 =	simm.s32 $_size_execute0_lowered;
	s2 =	sadd.s32 s2, s4;
	[dreg:$0x0] =	wrdreg $0x0  }
0xa8: {  	s4 =	sshll.u32 s28, $0x1;
	[dreg:$0x2] =	wrdreg s2  }
0xa9: {  	[dreg:$0x3] =	wrdreg s4  }
0xaa: {  	[dreg:$0x4] =	wrdreg $0xC0  }
0xab: {  	_ =	task [dreg:s6], $0x5FFFF  }
0xac: {  	[dreg:$0x1] =	wrdreg $0xFFFFFFFF  }
0xad: {  	[dreg:$0x0] =	wrdreg $0x60  }
0xae: {  	[dreg:$0x2] =	wrdreg s24  }
0xaf: {  	[dreg:$0x3] =	wrdreg $0x54000  }
0xb0: {  	[dreg:$0x4] =	wrdreg $0x9  }
0xb1: {  	_ =	task.clear_ibuf [dreg:s6], $0x5FFFF;
	_ =	strace $0x90000046  }
0xb2: {  	s29 =	simm.s32 $0x9;
	_ =	strace $0x80000048  }
0xb3: {  	_ =	swait.ge [sflag:s29], $0x1  }
0xb4: {  	[sflag:s29] =	ssyncadd.s32 $0xFFFFFFFF  }
0xb5: {  	_ =	strace $0x90000048  }
0xb6: {  	_ =	sfence  }
0xb7: {  	s30 =	sld [smem:$0x0];
	_ =	sdelay $0x2  }
0xb8: {  	s31 =	sshll.u32 s1, $0xD;
	s1 =	sshrl.u32 s1, $0x2  }
0xb9: {  	s3 =	sand.u32 $0x4000, s31;
	s1 =	sadd.s32 s1, s30  }
0xba: {  	s0 =	sor.u32 s3, s0;
	s1 =	sshll.u32 s1, $0x11  }
0xbb: {  	s0 =	sor.u32 s1, s0  }
0xbc: {  	s0 =	sadd.s32 $0x8F2B, s0  }
0xbd: {  	[sflag:s0] =	ssyncadd.remote.s32 $0x1  }
0xbe: {  	_ =	sfence.sel $0xFFFF  }
0xbf: {  	[dreg:$0x0] =	wrdreg $0xFFFFFFFF;
	(pc) =	sbr.abs _section_cstart, $3  }
0xc0: {  	[dreg:$0x1] =	wrdreg $0xFFFFFFFF  }
0xc1: {  	_ =	task.clear_ibuf [dreg:s6], $0x2FFFF;
	_ =	strace $0x9FFFFFFF  }
0xc2: {  	(tm) =	ssettm $0x7FFFFFFF  }
0xc3: {  	_ =	shalt  }
tec
execute0_lowered:
.L_overlay_start_1:
0x0: {  	(tag) =	ssettag $0x1  }
0x1: {  	s0 =	srdreg.scid  }
0x2: {  	s5 =	rddreg [dreg:$0x0];
	s4 =	sand.u32 $0x1, s0;
	s0 =	stileid.u32  }
0x3: {  	s2 =	rddreg [dreg:$0x1];
	s7 =	smul.u32 $0x13C00, s0  }
0x4: {  	s3 =	simm.s32 $0x0;
	s12 =	simm.s32 $0x1400;
	s8 =	smul.u32 $0x13C000, s4  }
0x5: {  	[smem:$0x7FF] =	sst s3;
	s1 =	sshll.u32 s4, $0x4;
	s29 =	smul.u32 $0x4F000, s0  }
0x6: {  	s4 =	ssub.s32 $0x2, s4;
	s31 =	sshll.u32 s0, $0x6;
	s1 =	sor.u32 s0, s1  }
0x7: {  	s30 =	sshrl.u32 s4, $0x1;
	s6 =	smul.u32 $0x280, s1;
	s1 =	rddreg [dreg:$0x2]  }
0x8: {  	_ =	strace $0x80000047;
	s9 =	sshrl.u32 s7, $0x3;
	s7 =	sadd.s32 s7, s8  }
0x9: {  	s8 =	sshrl.u32 s29, $0x2;
	s10 =	ssub.s32 s4, s30;
	s9 =	sadd.s32 s9, s5  }
0xa: {  	s7 =	sshrl.u32 s7, $0x3;
	s11 =	sadd.s32 s8, s2;
	s8 =	smax.u32 s10, $0x1  }
0xb: {  	s10 =	simm.s32 $0x1;
	s6 =	sadd.s32 s6, s5;
	s7 =	sadd.s32 s7, s5  }
0xc: {  	s4 =	sadd.s32 $0x7E00, s9;
	s5 =	sor.u32 $0x1C01, s31;
	s9 =	sshrl.u32 s11, $0x3  }
0xd: {  	v0 =	vimm.f32 $1.000000000e+00;
	s11 =	simm.s32 $0x80;
	s6 =	sadd.s32 $0x2E00, s6;
	s7 =	sadd.s32 $0x2F600, s7  }
.LBB2_1:
0xe: {  	[spmem:s9], [sflag:s5] =	dma.local [hbm:s4], $0x2780  }
0xf: {  	_ =	swait.ge [sflag:s10], $0x2780  }
0x10: {  	[sflag:s10] =	ssyncset.done $0x0  }
0x11: {  	s13 =	simm.s32 $0x200;
	s14 =	simm.s32 $0x0;
	[sflag:s10] =	ssyncadd.s32 $0xFFFFD880  }
.LBB2_2:
0x12: {  	p0 =	sne.s32 s13, $0xFE00;
	[tilespmem:s14+$0x1400] =	vst v0;
	s14 =	smov.u32 s13;
	s13 =	sadd.s32 $0x200, s13  }
.Ltmp0:
0x13: {  	(pc) =	sbr.rel @p0 .LBB2_2-.Ltmp0, $2  }
0x14: {  	_ =	sdelay $0x2  }
0x15: {  	s14 =	sshra.s32 s14, $0x2  }
0x16: {  	[tilespmem:s14+$0x1400] =	vst v0;
	s13 =	simm.s32 $0x0  }
0x17: {  	[tilespmem:s13], [sflag:$0x1] =	stream.linear.gather [hbm4b:s6+s13], $0x1400, $0x38;
	[tilespmem:$0x7B80] =	vst v63  }
0x18: {  	_ =	swait.ge [sflag:s10], $0x1400  }
0x19: {  	[sflag:s10] =	ssyncset.done $0x0  }
0x1a: {  	[sflag:s10] =	ssyncadd.s32 $0xFFFFEC00  }
0x1b: {  	s31 =	simm.s32 $0x0;
	[bflag:$0x0] =	sbarrier.arrive $0xFFFF  }
0x1c: {  	[spmem:s2] =	stream.indirect.scatter.add.f32 [tilespmem:s12], [sflag:$0x1], $0x10, s31, s11, $0xb8;
	[tilespmem:$0x7B80] =	vst v63  }
0x1d: {  	_ =	swait.ge [sflag:s10], $0x800  }
0x1e: {  	s13 =	simm.s32 $0x200;
	[sflag:s10] =	ssyncset.done $0x0  }
.LBB2_4:
0x1f: {  	s14 =	sshra.s32 s13, $0x2;
	[sflag:s10] =	ssyncadd.s32 $0xFFFFF800;
	p0 =	sne.s32 s13, $0x4E00  }
0x20: {  	[spmem:s2] =	stream.indirect.scatter.add.f32 [tilespmem:s12], [sflag:$0x1], $0x10, s14, s11, $0xb8;
	[tilespmem:$0x7B80] =	vst v63  }
.Ltmp1:
0x21: {  	_ = 	snop;
	(pc) =	sbr.rel @p0 .LBB2_4-.Ltmp1, $4  }
0x22: {  	_ = 	snop  }
0x23: {  	s13 =	sadd.s32 $0x200, s13  }
0x24: {  	_ =	swait.ge [sflag:s10], $0x800  }
0x25: {  	[sflag:s10] =	ssyncset.done $0x0  }
0x26: {  	s3 =	sadd.s32 $0x1, s3  }
0x27: {  	[sflag:s10] =	ssyncadd.s32 $0xFFFFF800;
	p0 =	sne.s32 s3, s8  }
.Ltmp2:
0x28: {  	[bflag:$0x0] =	sbarrier.arrive $0xFFFF;
	(pc) =	sbr.rel @p0 .LBB2_1-.Ltmp2, $4  }
0x29: {  	[hbm:s7], [sflag:s5] =	dma.local [spmem:s9], $0x2780  }
0x2a: {  	_ =	swait.ge [sflag:s10], $0x2780  }
0x2b: {  	[sflag:s10] =	ssyncset.done $0x0  }
0x2c: {  	[sflag:s10] =	ssyncadd.s32 $0xFFFFD880  }
0x2d: {  	_ =	sfence.sel $0x180000  }
0x2e: {  	[bflag:$0x0] =	sbarrier.arrive $0xFFFF  }
0x2f: {  	p0 =	sne.s32 s0, $0x0;
	_ =	strace $0x90000047  }
0x30: {  	s0 =	sadd.s32 @!p0 $0x100000, s1;
	[bflag:$0x2] =	sbarrier.arrive $0xFFFF  }
0x31: {  	[sflag:s0] =	ssyncadd.tile.s32 @!p0 $0x1;
	_ =	shalt  }
.Lfunc_end2:
_tile_overlayer_lowered:
.L_overlay_start_2:
0x32: {  	(tag) =	ssettag $0x2  }
0x33: {  	s0 =	rddreg [dreg:$0x0];
	s2 =	stileid.u32  }
0x34: {  	s1 =	rddreg [dreg:$0x1];
	p0 =	sne.s32 s2, $0x0  }
0x35: {  	s3 =	rddreg [dreg:$0x2];
	[bflag:$0x3] =	sbarrier.arrive $0xFFFF;
	s2 =	simm.s32 @!p0 $0x1C01  }
0x36: {  	[timem:s3], [sflag:s2] =	dma.local @!p0 [hbm:s0], s1  }
0x37: {  	s0 =	simm.s32 @!p0 $0x1  }
0x38: {  	_ =	swait.ge @!p0 [sflag:s0], s1  }
0x39: {  	s1 =	ssub.s32 @!p0 $0x0, s1;
	[sflag:s0] =	ssyncset.done @!p0 $0x0  }
0x3a: {  	[sflag:s0] =	ssyncadd.s32 @!p0 s1  }
0x3b: {  	[bflag:$0x3] =	sbarrier.arrive $0xFFFF  }
0x3c: {  	_ =	shalt  }

</sc_bundles>
